<compile_context>
chip_gen: v7x
topology: tpu7x:2x2x1
jax: 0.10.2.dev20260603
libtpu: 0.0.44.dev20260713+nightly
codegen_flags: <defaults>
</compile_context>

<pallas_src>
import functools

import jax
import jax.numpy as jnp
from jax import lax
from jax.experimental import pallas as pl
from jax.experimental.pallas import tpu as pltpu
from jax.experimental.pallas import tpu_sc as plsc

T, D, E, K, F = 2048, 1024, 8, 2, 1024
ROWS_BLK = 128
NP = T * K + E * ROWS_BLK
NB = NP // ROWS_BLK
NBPAD = 64

NC, NS = 2, 16
NW = NC * NS
TOK_W = T // NW
SUB = 32



def _route_kernel(x_ref, wg_ref, pos1_ref, pos2_ref, w1_ref, w2_ref,
                  blk_ref):
    x = x_ref[...]
    logits = jnp.dot(x, wg_ref[...], preferred_element_type=jnp.float32)
    p = jax.nn.softmax(logits, axis=-1)
    i1 = jnp.argmax(p, axis=-1)
    eidx = lax.broadcasted_iota(jnp.int32, p.shape, 1)
    p_m = jnp.where(eidx == i1[:, None], -jnp.inf, p)
    i2 = jnp.argmax(p_m, axis=-1)
    p1 = jnp.max(p, axis=-1)
    p2 = jnp.max(p_m, axis=-1)
    denom = p1 + p2
    w1 = p1 / denom
    w2 = p2 / denom

    oh1 = (eidx == i1[:, None]).astype(jnp.bfloat16)
    oh2 = (eidx == i2[:, None]).astype(jnp.bfloat16)
    oh = jnp.concatenate([oh1, oh2], axis=1)
    NBLK, BS = 16, 128
    ohr = jnp.reshape(oh, (NBLK, BS, 2 * E))
    rb = lax.broadcasted_iota(jnp.int32, (BS, BS), 0)
    cb = lax.broadcasted_iota(jnp.int32, (BS, BS), 1)
    l128 = (cb < rb).astype(jnp.bfloat16)
    cnts = [jnp.dot(l128, ohr[bi], preferred_element_type=jnp.float32)
            for bi in range(NBLK)]
    sums = jnp.stack([cnts[bi][BS - 1] + ohr[bi][BS - 1].astype(jnp.float32)
                      for bi in range(NBLK)], axis=0)
    r16 = lax.broadcasted_iota(jnp.int32, (NBLK, NBLK), 0)
    c16 = lax.broadcasted_iota(jnp.int32, (NBLK, NBLK), 1)
    l16 = (c16 < r16).astype(jnp.float32)
    offs = jnp.dot(l16, sums, preferred_element_type=jnp.float32)
    cnt = jnp.concatenate(
        [cnts[bi] + offs[bi][None, :] for bi in range(NBLK)], axis=0)
    c1, c2 = cnt[:, :E], cnt[:, E:]
    tot = jnp.sum(sums, axis=0)
    n1 = tot[:E]
    n2 = tot[E:]
    ntot = n1 + n2
    nblk = jnp.ceil(ntot / ROWS_BLK)
    r8 = lax.broadcasted_iota(jnp.int32, (E, E), 0)
    c8 = lax.broadcasted_iota(jnp.int32, (E, E), 1)
    l8 = (c8 < r8).astype(jnp.float32)
    bstart = jnp.dot(l8, nblk[:, None],
                     preferred_element_type=jnp.float32)[:, 0]
    start = bstart * ROWS_BLK

    oh1f = oh1.astype(jnp.float32)
    oh2f = oh2.astype(jnp.float32)
    pos1 = jnp.sum(oh1f * (start[None, :] + c1), axis=1)
    pos2 = jnp.sum(oh2f * (start[None, :] + n1[None, :] + c2), axis=1)
    pos1_ref[...] = pos1.astype(jnp.int32)
    pos2_ref[...] = pos2.astype(jnp.int32)
    w1_ref[...] = jnp.broadcast_to(w1[:, None], (T, 16))
    w2_ref[...] = jnp.broadcast_to(w2[:, None], (T, 16))
    bidx = lax.broadcasted_iota(jnp.int32, (NBPAD, E), 0)
    bstart_i = bstart.astype(jnp.int32)
    blk = jnp.sum((bstart_i[None, :] <= bidx).astype(jnp.int32), axis=1) - 1
    blk = jnp.clip(blk, 0, E - 1)
    nbtot = jnp.sum(nblk).astype(jnp.int32)
    slot = lax.broadcasted_iota(jnp.int32, (NBPAD,), 0)
    blk_ref[...] = jnp.where(slot == NBPAD - 1, nbtot, blk)


def _route(x, Wg):
    return pl.pallas_call(
        _route_kernel,
        in_specs=[
            pl.BlockSpec((T, D), lambda: (0, 0)),
            pl.BlockSpec((D, E), lambda: (0, 0)),
        ],
        out_specs=[
            pl.BlockSpec((T,), lambda: (0,)),
            pl.BlockSpec((T,), lambda: (0,)),
            pl.BlockSpec((T, 16), lambda: (0, 0)),
            pl.BlockSpec((T, 16), lambda: (0, 0)),
            pl.BlockSpec((NBPAD,), lambda: (0,)),
        ],
        out_shape=[
            jax.ShapeDtypeStruct((T,), jnp.int32),
            jax.ShapeDtypeStruct((T,), jnp.int32),
            jax.ShapeDtypeStruct((T, 16), jnp.float32),
            jax.ShapeDtypeStruct((T, 16), jnp.float32),
            jax.ShapeDtypeStruct((NBPAD,), jnp.int32),
        ],
    )(x, Wg)



def _dispatch_body(x_hbm, pos1_hbm, pos2_hbm, xs_hbm, idx1_v, idx2_v, xv,
                   sem1, sem2, sem3):
    wid = lax.axis_index("s") * NC + lax.axis_index("c")
    base = wid * TOK_W
    ld1 = pltpu.async_copy(pos1_hbm.at[pl.ds(base, TOK_W)], idx1_v, sem1)
    ld2 = pltpu.async_copy(pos2_hbm.at[pl.ds(base, TOK_W)], idx2_v, sem2)
    ldx = pltpu.async_copy(x_hbm.at[pl.ds(base, TOK_W), :], xv, sem3)
    ld1.wait()
    ld2.wait()
    ldx.wait()
    cp1 = pltpu.async_copy(xv, xs_hbm.at[idx1_v], sem1)
    cp2 = pltpu.async_copy(xv, xs_hbm.at[idx2_v], sem2)
    cp1.wait()
    cp2.wait()


@functools.cache
def _dispatch_fn():
    return pl.kernel(
        _dispatch_body,
        out_type=jax.ShapeDtypeStruct((NP, D), jnp.float32),
        mesh=plsc.VectorSubcoreMesh(core_axis_name="c",
                                    subcore_axis_name="s"),
        scratch_types=[
            pltpu.VMEM((TOK_W,), jnp.int32),
            pltpu.VMEM((TOK_W,), jnp.int32),
            pltpu.VMEM((TOK_W, D), jnp.float32),
            pltpu.SemaphoreType.DMA,
            pltpu.SemaphoreType.DMA,
            pltpu.SemaphoreType.DMA,
        ],
    )



def _ffn_kernel(blk_ref, xs_ref, wg_ref, wu_ref, wd_ref, ys_ref):
    b = pl.program_id(0)

    @pl.when(b < blk_ref[NBPAD - 1])
    def _compute():
        xb = xs_ref[...].astype(jnp.bfloat16)
        wg = wg_ref[0].astype(jnp.bfloat16)
        wu = wu_ref[0].astype(jnp.bfloat16)
        wd = wd_ref[0].astype(jnp.bfloat16)
        g = jnp.dot(xb, wg, preferred_element_type=jnp.float32)
        u = jnp.dot(xb, wu, preferred_element_type=jnp.float32)
        h = (jax.nn.silu(g) * u).astype(jnp.bfloat16)
        ys_ref[...] = jnp.dot(h, wd, preferred_element_type=jnp.float32)


def _ffn(blk_expert, xs, w_gate, w_up, w_down):
    grid_spec = pltpu.PrefetchScalarGridSpec(
        num_scalar_prefetch=1,
        grid=(NB,),
        in_specs=[
            pl.BlockSpec((ROWS_BLK, D),
                         lambda b, blk: (jnp.minimum(b, blk[NBPAD - 1] - 1),
                                         0)),
            pl.BlockSpec((1, D, F),
                         lambda b, blk: (blk[jnp.minimum(b, blk[NBPAD - 1] - 1)],
                                         0, 0)),
            pl.BlockSpec((1, D, F),
                         lambda b, blk: (blk[jnp.minimum(b, blk[NBPAD - 1] - 1)],
                                         0, 0)),
            pl.BlockSpec((1, F, D),
                         lambda b, blk: (blk[jnp.minimum(b, blk[NBPAD - 1] - 1)],
                                         0, 0)),
        ],
        out_specs=pl.BlockSpec((ROWS_BLK, D),
                               lambda b, blk: (jnp.minimum(b, blk[NBPAD - 1] - 1),
                                               0)),
    )
    return pl.pallas_call(
        _ffn_kernel,
        grid_spec=grid_spec,
        out_shape=jax.ShapeDtypeStruct((NP, D), jnp.float32),
    )(blk_expert, xs, w_gate, w_up, w_down)



def _combine_body(ys_hbm, pos1_hbm, pos2_hbm, w1_hbm, w2_hbm, out_hbm,
                  idx1_v, idx2_v, w1v, w2v, y1v, y2v, ov, sem1, sem2):
    wid = lax.axis_index("s") * NC + lax.axis_index("c")
    for s in range(TOK_W // SUB):
        base = wid * TOK_W + s * SUB
        pltpu.sync_copy(pos1_hbm.at[pl.ds(base, SUB)], idx1_v)
        pltpu.sync_copy(pos2_hbm.at[pl.ds(base, SUB)], idx2_v)
        pltpu.sync_copy(w1_hbm.at[pl.ds(base, SUB), :], w1v)
        pltpu.sync_copy(w2_hbm.at[pl.ds(base, SUB), :], w2v)
        cp1 = pltpu.async_copy(ys_hbm.at[idx1_v], y1v, sem1)
        cp2 = pltpu.async_copy(ys_hbm.at[idx2_v], y2v, sem2)
        cp1.wait()
        cp2.wait()

        def row_body(j, _):
            wv1 = w1v[j]
            wv2 = w2v[j]

            def col_body(cc, __):
                a = y1v[j, pl.ds(cc * 16, 16)]
                b = y2v[j, pl.ds(cc * 16, 16)]
                ov[j, pl.ds(cc * 16, 16)] = a * wv1 + b * wv2
                return 0

            return lax.fori_loop(0, D // 16, col_body, 0)

        lax.fori_loop(0, SUB, row_body, 0)
        pltpu.sync_copy(ov, out_hbm.at[pl.ds(base, SUB), :])


@functools.cache
def _combine_fn():
    return pl.kernel(
        _combine_body,
        out_type=jax.ShapeDtypeStruct((T, D), jnp.float32),
        mesh=plsc.VectorSubcoreMesh(core_axis_name="c",
                                    subcore_axis_name="s"),
        scratch_types=[
            pltpu.VMEM((SUB,), jnp.int32),
            pltpu.VMEM((SUB,), jnp.int32),
            pltpu.VMEM((SUB, 16), jnp.float32),
            pltpu.VMEM((SUB, 16), jnp.float32),
            pltpu.VMEM((SUB, D), jnp.float32),
            pltpu.VMEM((SUB, D), jnp.float32),
            pltpu.VMEM((SUB, D), jnp.float32),
            pltpu.SemaphoreType.DMA,
            pltpu.SemaphoreType.DMA,
        ],
    )



def kernel(x, Wg, w_gate, w_up, w_down):
    pos1, pos2, w1rep, w2rep, blk_expert = _route(x, Wg)
    xs = _dispatch_fn()(x, pos1, pos2)
    ys = _ffn(blk_expert, xs, w_gate, w_up, w_down)
    return _combine_fn()(ys, pos1, pos2, w1rep, w2rep)

# --- scband reference (transcript-rebuilt; emitter-appended) ---
"""Pipeline reference for scband-qwen3-mo-e-1090921693843 (READ-ONLY COPY).

The authoritative reference and input builder live on the scoring server;
editing this copy changes nothing except your own understanding.
"""

import jax, jax.numpy as jnp
import numpy as np

T, D, E, K, F = 2048, 1024, 8, 2, 1024


def setup_inputs(seed: int = 0) -> dict:
    key = jax.random.key(seed)
    ks = jax.random.split(key, 5)
    x = jax.random.normal(ks[0], (T, D), dtype=jnp.float32)
    Wg = jax.random.normal(ks[1], (D, E), dtype=jnp.float32) * 0.02
    w_gate = jax.random.normal(ks[2], (E, D, F), dtype=jnp.float32) * 0.02
    w_up = jax.random.normal(ks[3], (E, D, F), dtype=jnp.float32) * 0.02
    w_down = jax.random.normal(ks[4], (E, F, D), dtype=jnp.float32) * 0.02
    return {"x": x, "Wg": Wg, "w_gate": w_gate, "w_up": w_up, "w_down": w_down}


def reference(x, Wg, w_gate, w_up, w_down):
    # gate (FastLinear, no bias): router logits
    router_logits = x @ Wg                                   # [T, E]
    probs = jax.nn.softmax(router_logits.astype(jnp.float32), axis=-1)
    topv, topi = jax.lax.top_k(probs, K)                     # [T, K]
    # renormalize=True: renormalize the top-k routing weights
    topv = topv / jnp.sum(topv, axis=-1, keepdims=True)
    # dense combine weights [T, E]; zero for unselected experts (math-identical to sparse dispatch)
    combine = jnp.sum(jax.nn.one_hot(topi, E, dtype=x.dtype) * topv[..., None], axis=1)
    # SwiGLU expert FFNs (Qwen3 MoE expert MLP): down(silu(gate(x)) * up(x))
    h = jax.nn.silu(jnp.einsum('td,edf->tef', x, w_gate)) * jnp.einsum('td,edf->tef', x, w_up)  # [T, E, F]
    y = jnp.einsum('tef,efd->ted', h, w_down)                # [T, E, D]
    out = jnp.einsum('ted,te->td', y, combine)               # [T, D]
    return out

if __name__ == "__main__":
    import jax
    _d = setup_inputs()
    print(jax.jit(kernel)(*tuple(_d.values())))

</pallas_src>

<mosaic_0001>
#map = affine_map<(d0, d1) -> (0, 0)>
#map1 = affine_map<(d0, d1) -> (0)>
module attributes {stable_mosaic.version = 14 : i64} {
  func.func @_combine_body(%arg0: i32, %arg1: i32, %arg2: memref<5120x1024xf32, #tpu.memory_space<hbm>>, %arg3: memref<2048xi32, #tpu.memory_space<hbm>>, %arg4: memref<2048xi32, #tpu.memory_space<hbm>>, %arg5: memref<2048x16xf32, #tpu.memory_space<hbm>>, %arg6: memref<2048x16xf32, #tpu.memory_space<hbm>>, %arg7: memref<2048x1024xf32, #tpu.memory_space<hbm>>, %arg8: memref<32xi32, #tpu.memory_space<vmem>>, %arg9: memref<32xi32, #tpu.memory_space<vmem>>, %arg10: memref<32x16xf32, #tpu.memory_space<vmem>>, %arg11: memref<32x16xf32, #tpu.memory_space<vmem>>, %arg12: memref<32x1024xf32, #tpu.memory_space<vmem>>, %arg13: memref<32x1024xf32, #tpu.memory_space<vmem>>, %arg14: memref<32x1024xf32, #tpu.memory_space<vmem>>, %arg15: memref<!tpu.dma_semaphore, #tpu.memory_space<semaphore_mem>>, %arg16: memref<!tpu.dma_semaphore, #tpu.memory_space<semaphore_mem>>) attributes {dimension_semantics = [#tpu.dimension_semantics<core_parallel>, #tpu.dimension_semantics<subcore_parallel>], iteration_bounds = array<i64: 2, 16>, scalar_prefetch = 0 : i64, scratch_operands = 9 : i64, tpu.core_type = #tpu.core_type<sc_vector_subcore>, window_params = [{transform_indices = #map}, {transform_indices = #map1}, {transform_indices = #map1}, {transform_indices = #map}, {transform_indices = #map}, {transform_indices = #map}]} {
    %mul3A = arith.constant 2 : i32
    %mul3A_0 = arith.muli %arg1, %mul3A : i32
    %add3A = arith.addi %mul3A_0, %arg0 : i32
    %mul3A_1 = arith.constant 64 : i32
    %mul3A_2 = arith.muli %add3A, %mul3A_1 : i32
    %add3A_3 = arith.constant 0 : i32
    %add3A_4 = arith.addi %mul3A_2, %add3A_3 : i32
    "tpu.region"() ({
      %run_scoped3A = tpu.sem_alloc : memref<!tpu.dma_semaphore, #tpu.memory_space<semaphore_mem>>
      %dma_start3A_44 = tpu.memref_slice %arg3[%add3A_4] : memref<2048xi32, #tpu.memory_space<hbm>> -> memref<32xi32, #tpu.memory_space<hbm>>
      %dma_start3A_45 = tpu.memref_slice %arg3[%add3A_4] : memref<2048xi32, #tpu.memory_space<hbm>> -> memref<32xi32, #tpu.memory_space<hbm>>
      tpu.enqueue_dma source(%dma_start3A_45 : memref<32xi32, #tpu.memory_space<hbm>>) target(%arg8 : memref<32xi32, #tpu.memory_space<vmem>>) target_semaphore(%run_scoped3A : memref<!tpu.dma_semaphore, #tpu.memory_space<semaphore_mem>>)
      %dma_wait3A_46 = tpu.memref_slice %arg3[%add3A_4] : memref<2048xi32, #tpu.memory_space<hbm>> -> memref<32xi32, #tpu.memory_space<hbm>>
      %dma_wait3A_47 = tpu.memref_slice %arg3[%add3A_4] : memref<2048xi32, #tpu.memory_space<hbm>> -> memref<32xi32, #tpu.memory_space<hbm>>
      tpu.wait_dma2 semaphore(%run_scoped3A : memref<!tpu.dma_semaphore, #tpu.memory_space<semaphore_mem>>) src(%dma_wait3A_47 : memref<32xi32, #tpu.memory_space<hbm>>) dst(%arg8 : memref<32xi32, #tpu.memory_space<vmem>>)
      tpu.yield
    }) : () -> ()
    "tpu.region"() ({
      %run_scoped3A = tpu.sem_alloc : memref<!tpu.dma_semaphore, #tpu.memory_space<semaphore_mem>>
      %dma_start3A_44 = tpu.memref_slice %arg4[%add3A_4] : memref<2048xi32, #tpu.memory_space<hbm>> -> memref<32xi32, #tpu.memory_space<hbm>>
      %dma_start3A_45 = tpu.memref_slice %arg4[%add3A_4] : memref<2048xi32, #tpu.memory_space<hbm>> -> memref<32xi32, #tpu.memory_space<hbm>>
      tpu.enqueue_dma source(%dma_start3A_45 : memref<32xi32, #tpu.memory_space<hbm>>) target(%arg9 : memref<32xi32, #tpu.memory_space<vmem>>) target_semaphore(%run_scoped3A : memref<!tpu.dma_semaphore, #tpu.memory_space<semaphore_mem>>)
      %dma_wait3A_46 = tpu.memref_slice %arg4[%add3A_4] : memref<2048xi32, #tpu.memory_space<hbm>> -> memref<32xi32, #tpu.memory_space<hbm>>
      %dma_wait3A_47 = tpu.memref_slice %arg4[%add3A_4] : memref<2048xi32, #tpu.memory_space<hbm>> -> memref<32xi32, #tpu.memory_space<hbm>>
      tpu.wait_dma2 semaphore(%run_scoped3A : memref<!tpu.dma_semaphore, #tpu.memory_space<semaphore_mem>>) src(%dma_wait3A_47 : memref<32xi32, #tpu.memory_space<hbm>>) dst(%arg9 : memref<32xi32, #tpu.memory_space<vmem>>)
      tpu.yield
    }) : () -> ()
    "tpu.region"() ({
      %run_scoped3A = tpu.sem_alloc : memref<!tpu.dma_semaphore, #tpu.memory_space<semaphore_mem>>
      %dma_start3A_44 = arith.constant 0 : i32
      %dma_start3A_45 = tpu.memref_slice %arg5[%add3A_4, %dma_start3A_44] : memref<2048x16xf32, #tpu.memory_space<hbm>> -> memref<32x16xf32, #tpu.memory_space<hbm>>
      %dma_start3A_46 = arith.constant 0 : i32
      %dma_start3A_47 = tpu.memref_slice %arg5[%add3A_4, %dma_start3A_46] : memref<2048x16xf32, #tpu.memory_space<hbm>> -> memref<32x16xf32, #tpu.memory_space<hbm>>
      tpu.enqueue_dma source(%dma_start3A_47 : memref<32x16xf32, #tpu.memory_space<hbm>>) target(%arg10 : memref<32x16xf32, #tpu.memory_space<vmem>>) target_semaphore(%run_scoped3A : memref<!tpu.dma_semaphore, #tpu.memory_space<semaphore_mem>>)
      %dma_wait3A_48 = arith.constant 0 : i32
      %dma_wait3A_49 = tpu.memref_slice %arg5[%add3A_4, %dma_wait3A_48] : memref<2048x16xf32, #tpu.memory_space<hbm>> -> memref<32x16xf32, #tpu.memory_space<hbm>>
      %dma_wait3A_50 = arith.constant 0 : i32
      %dma_wait3A_51 = tpu.memref_slice %arg5[%add3A_4, %dma_wait3A_50] : memref<2048x16xf32, #tpu.memory_space<hbm>> -> memref<32x16xf32, #tpu.memory_space<hbm>>
      tpu.wait_dma2 semaphore(%run_scoped3A : memref<!tpu.dma_semaphore, #tpu.memory_space<semaphore_mem>>) src(%dma_wait3A_51 : memref<32x16xf32, #tpu.memory_space<hbm>>) dst(%arg10 : memref<32x16xf32, #tpu.memory_space<vmem>>)
      tpu.yield
    }) : () -> ()
    "tpu.region"() ({
      %run_scoped3A = tpu.sem_alloc : memref<!tpu.dma_semaphore, #tpu.memory_space<semaphore_mem>>
      %dma_start3A_44 = arith.constant 0 : i32
      %dma_start3A_45 = tpu.memref_slice %arg6[%add3A_4, %dma_start3A_44] : memref<2048x16xf32, #tpu.memory_space<hbm>> -> memref<32x16xf32, #tpu.memory_space<hbm>>
      %dma_start3A_46 = arith.constant 0 : i32
      %dma_start3A_47 = tpu.memref_slice %arg6[%add3A_4, %dma_start3A_46] : memref<2048x16xf32, #tpu.memory_space<hbm>> -> memref<32x16xf32, #tpu.memory_space<hbm>>
      tpu.enqueue_dma source(%dma_start3A_47 : memref<32x16xf32, #tpu.memory_space<hbm>>) target(%arg11 : memref<32x16xf32, #tpu.memory_space<vmem>>) target_semaphore(%run_scoped3A : memref<!tpu.dma_semaphore, #tpu.memory_space<semaphore_mem>>)
      %dma_wait3A_48 = arith.constant 0 : i32
      %dma_wait3A_49 = tpu.memref_slice %arg6[%add3A_4, %dma_wait3A_48] : memref<2048x16xf32, #tpu.memory_space<hbm>> -> memref<32x16xf32, #tpu.memory_space<hbm>>
      %dma_wait3A_50 = arith.constant 0 : i32
      %dma_wait3A_51 = tpu.memref_slice %arg6[%add3A_4, %dma_wait3A_50] : memref<2048x16xf32, #tpu.memory_space<hbm>> -> memref<32x16xf32, #tpu.memory_space<hbm>>
      tpu.wait_dma2 semaphore(%run_scoped3A : memref<!tpu.dma_semaphore, #tpu.memory_space<semaphore_mem>>) src(%dma_wait3A_51 : memref<32x16xf32, #tpu.memory_space<hbm>>) dst(%arg11 : memref<32x16xf32, #tpu.memory_space<vmem>>)
      tpu.yield
    }) : () -> ()
    %dma_start3A = arith.constant 0 : i32
    %dma_start3A_5 = arith.constant 0 : i32
    %dma_start3A_6 = tpu.memref_slice %arg2[%dma_start3A, %dma_start3A_5] : memref<5120x1024xf32, #tpu.memory_space<hbm>> -> memref<5120x1024xf32, #tpu.memory_space<hbm>>
    tpu.enqueue_indirect_dma source(%dma_start3A_6 : memref<5120x1024xf32, #tpu.memory_space<hbm>>) target(%arg12 : memref<32x1024xf32, #tpu.memory_space<vmem>>) offsets(%arg8 : memref<32xi32, #tpu.memory_space<vmem>>) semaphore(%arg15 : memref<!tpu.dma_semaphore, #tpu.memory_space<semaphore_mem>>)
    %dma_start3A_7 = arith.constant 0 : i32
    %dma_start3A_8 = arith.constant 0 : i32
    %dma_start3A_9 = tpu.memref_slice %arg2[%dma_start3A_7, %dma_start3A_8] : memref<5120x1024xf32, #tpu.memory_space<hbm>> -> memref<5120x1024xf32, #tpu.memory_space<hbm>>
    tpu.enqueue_indirect_dma source(%dma_start3A_9 : memref<5120x1024xf32, #tpu.memory_space<hbm>>) target(%arg13 : memref<32x1024xf32, #tpu.memory_space<vmem>>) offsets(%arg9 : memref<32xi32, #tpu.memory_space<vmem>>) semaphore(%arg16 : memref<!tpu.dma_semaphore, #tpu.memory_space<semaphore_mem>>)
    %dma_wait3A = arith.constant 0 : i32
    %dma_wait3A_10 = arith.constant 0 : i32
    %dma_wait3A_11 = tpu.memref_slice %arg2[%dma_wait3A, %dma_wait3A_10] : memref<5120x1024xf32, #tpu.memory_space<hbm>> -> memref<5120x1024xf32, #tpu.memory_space<hbm>>
    tpu.wait_indirect_dma semaphore(%arg15 : memref<!tpu.dma_semaphore, #tpu.memory_space<semaphore_mem>>) src(%dma_wait3A_11 : memref<5120x1024xf32, #tpu.memory_space<hbm>>) dst(%arg12 : memref<32x1024xf32, #tpu.memory_space<vmem>>)
    %dma_wait3A_12 = arith.constant 0 : i32
    %dma_wait3A_13 = arith.constant 0 : i32
    %dma_wait3A_14 = tpu.memref_slice %arg2[%dma_wait3A_12, %dma_wait3A_13] : memref<5120x1024xf32, #tpu.memory_space<hbm>> -> memref<5120x1024xf32, #tpu.memory_space<hbm>>
    tpu.wait_indirect_dma semaphore(%arg16 : memref<!tpu.dma_semaphore, #tpu.memory_space<semaphore_mem>>) src(%dma_wait3A_14 : memref<5120x1024xf32, #tpu.memory_space<hbm>>) dst(%arg13 : memref<32x1024xf32, #tpu.memory_space<vmem>>)
    %scan3A = arith.constant 0 : i32
    %scan3A_15 = arith.constant 0 : i32
    %scan3A_16 = arith.constant 32 : i32
    %scan3A_17 = arith.addi %scan3A_15, %scan3A_16 : i32
    %scan3A_18 = arith.constant 1 : i32
    %scan3A_19 = scf.for %scan3A_44 = %scan3A_15 to %scan3A_17 step %scan3A_18 iter_args(%scan3A_45 = %scan3A) -> (i32)  : i32 {
      %get3A = arith.index_cast %scan3A_44 : i32 to index
      %get3A_46 = arith.constant 0 : index
      %get3A_47 = tpu.vector_load %arg10[%get3A, %get3A_46] {strides = array<i32>} : memref<32x16xf32, #tpu.memory_space<vmem>>, vector<1x16xf32>,
      %get3A_48 = vector.shape_cast %get3A_47 : vector<1x16xf32> to vector<16xf32>
      %get3A_49 = arith.index_cast %scan3A_44 : i32 to index
      %get3A_50 = arith.constant 0 : index
      %get3A_51 = tpu.vector_load %arg11[%get3A_49, %get3A_50] {strides = array<i32>} : memref<32x16xf32, #tpu.memory_space<vmem>>, vector<1x16xf32>,
      %get3A_52 = vector.shape_cast %get3A_51 : vector<1x16xf32> to vector<16xf32>
      %scan3A_53 = arith.constant 0 : i32
      %scan3A_54 = arith.constant 0 : i32
      %scan3A_55 = arith.constant 64 : i32
      %scan3A_56 = arith.addi %scan3A_54, %scan3A_55 : i32
      %scan3A_57 = arith.constant 1 : i32
      %scan3A_58 = scf.for %scan3A_60 = %scan3A_54 to %scan3A_56 step %scan3A_57 iter_args(%scan3A_61 = %scan3A_53) -> (i32)  : i32 {
        %mul3A_62 = arith.constant 16 : i32
        %mul3A_63 = arith.muli %scan3A_60, %mul3A_62 : i32
        %get3A_64 = arith.index_cast %scan3A_44 : i32 to index
        %get3A_65 = arith.index_cast %mul3A_63 : i32 to index
        %get3A_66 = tpu.vector_load %arg12[%get3A_64, %get3A_65] {strides = array<i32>} : memref<32x1024xf32, #tpu.memory_space<vmem>>, vector<1x16xf32>,
        %get3A_67 = vector.shape_cast %get3A_66 : vector<1x16xf32> to vector<16xf32>
        %mul3A_68 = arith.constant 16 : i32
        %mul3A_69 = arith.muli %scan3A_60, %mul3A_68 : i32
        %get3A_70 = arith.index_cast %scan3A_44 : i32 to index
        %get3A_71 = arith.index_cast %mul3A_69 : i32 to index
        %get3A_72 = tpu.vector_load %arg13[%get3A_70, %get3A_71] {strides = array<i32>} : memref<32x1024xf32, #tpu.memory_space<vmem>>, vector<1x16xf32>,
        %get3A_73 = vector.shape_cast %get3A_72 : vector<1x16xf32> to vector<16xf32>
        %mul3A_74 = arith.mulf %get3A_67, %get3A_48 : vector<16xf32>
        %mul3A_75 = arith.mulf %get3A_73, %get3A_52 : vector<16xf32>
        %add3A_76 = arith.addf %mul3A_74, %mul3A_75 : vector<16xf32>
        %mul3A_77 = arith.constant 16 : i32
        %mul3A_78 = arith.muli %scan3A_60, %mul3A_77 : i32
        %swap3A = arith.index_cast %scan3A_44 : i32 to index
        %swap3A_79 = arith.index_cast %mul3A_78 : i32 to index
        %swap3A_80 = tpu.vector_load %arg14[%swap3A, %swap3A_79] {strides = array<i32>} : memref<32x1024xf32, #tpu.memory_space<vmem>>, vector<1x16xf32>,
        %swap3A_81 = vector.shape_cast %swap3A_80 : vector<1x16xf32> to vector<16xf32>
        %swap3A_82 = vector.shape_cast %add3A_76 : vector<16xf32> to vector<1x16xf32>
        tpu.vector_store %arg14[%swap3A, %swap3A_79], %swap3A_82 {strides = array<i32>} : memref<32x1024xf32, #tpu.memory_space<vmem>>, vector<1x16xf32>,
        %scan3A_83 = arith.constant 0 : i32
        scf.yield %scan3A_83 : i32
      }
      %scan3A_59 = arith.constant 64 : i32
      scf.yield %scan3A_58 : i32
    }
    %scan3A_20 = arith.constant 32 : i32
    "tpu.region"() ({
      %run_scoped3A = tpu.sem_alloc : memref<!tpu.dma_semaphore, #tpu.memory_space<semaphore_mem>>
      %dma_start3A_44 = arith.constant 0 : i32
      %dma_start3A_45 = tpu.memref_slice %arg7[%add3A_4, %dma_start3A_44] : memref<2048x1024xf32, #tpu.memory_space<hbm>> -> memref<32x1024xf32, #tpu.memory_space<hbm>>
      %dma_start3A_46 = arith.constant 0 : i32
      %dma_start3A_47 = tpu.memref_slice %arg7[%add3A_4, %dma_start3A_46] : memref<2048x1024xf32, #tpu.memory_space<hbm>> -> memref<32x1024xf32, #tpu.memory_space<hbm>>
      tpu.enqueue_dma source(%arg14 : memref<32x1024xf32, #tpu.memory_space<vmem>>) target(%dma_start3A_47 : memref<32x1024xf32, #tpu.memory_space<hbm>>) target_semaphore(%run_scoped3A : memref<!tpu.dma_semaphore, #tpu.memory_space<semaphore_mem>>)
      %dma_wait3A_48 = arith.constant 0 : i32
      %dma_wait3A_49 = tpu.memref_slice %arg7[%add3A_4, %dma_wait3A_48] : memref<2048x1024xf32, #tpu.memory_space<hbm>> -> memref<32x1024xf32, #tpu.memory_space<hbm>>
      %dma_wait3A_50 = arith.constant 0 : i32
      %dma_wait3A_51 = tpu.memref_slice %arg7[%add3A_4, %dma_wait3A_50] : memref<2048x1024xf32, #tpu.memory_space<hbm>> -> memref<32x1024xf32, #tpu.memory_space<hbm>>
      tpu.wait_dma2 semaphore(%run_scoped3A : memref<!tpu.dma_semaphore, #tpu.memory_space<semaphore_mem>>) src(%arg14 : memref<32x1024xf32, #tpu.memory_space<vmem>>) dst(%dma_wait3A_51 : memref<32x1024xf32, #tpu.memory_space<hbm>>)
      tpu.yield
    }) : () -> ()
    %mul3A_21 = arith.constant 64 : i32
    %mul3A_22 = arith.muli %add3A, %mul3A_21 : i32
    %add3A_23 = arith.constant 32 : i32
    %add3A_24 = arith.addi %mul3A_22, %add3A_23 : i32
    "tpu.region"() ({
      %run_scoped3A = tpu.sem_alloc : memref<!tpu.dma_semaphore, #tpu.memory_space<semaphore_mem>>
      %dma_start3A_44 = tpu.memref_slice %arg3[%add3A_24] : memref<2048xi32, #tpu.memory_space<hbm>> -> memref<32xi32, #tpu.memory_space<hbm>>
      %dma_start3A_45 = tpu.memref_slice %arg3[%add3A_24] : memref<2048xi32, #tpu.memory_space<hbm>> -> memref<32xi32, #tpu.memory_space<hbm>>
      tpu.enqueue_dma source(%dma_start3A_45 : memref<32xi32, #tpu.memory_space<hbm>>) target(%arg8 : memref<32xi32, #tpu.memory_space<vmem>>) target_semaphore(%run_scoped3A : memref<!tpu.dma_semaphore, #tpu.memory_space<semaphore_mem>>)
      %dma_wait3A_46 = tpu.memref_slice %arg3[%add3A_24] : memref<2048xi32, #tpu.memory_space<hbm>> -> memref<32xi32, #tpu.memory_space<hbm>>
      %dma_wait3A_47 = tpu.memref_slice %arg3[%add3A_24] : memref<2048xi32, #tpu.memory_space<hbm>> -> memref<32xi32, #tpu.memory_space<hbm>>
      tpu.wait_dma2 semaphore(%run_scoped3A : memref<!tpu.dma_semaphore, #tpu.memory_space<semaphore_mem>>) src(%dma_wait3A_47 : memref<32xi32, #tpu.memory_space<hbm>>) dst(%arg8 : memref<32xi32, #tpu.memory_space<vmem>>)
      tpu.yield
    }) : () -> ()
    "tpu.region"() ({
      %run_scoped3A = tpu.sem_alloc : memref<!tpu.dma_semaphore, #tpu.memory_space<semaphore_mem>>
      %dma_start3A_44 = tpu.memref_slice %arg4[%add3A_24] : memref<2048xi32, #tpu.memory_space<hbm>> -> memref<32xi32, #tpu.memory_space<hbm>>
      %dma_start3A_45 = tpu.memref_slice %arg4[%add3A_24] : memref<2048xi32, #tpu.memory_space<hbm>> -> memref<32xi32, #tpu.memory_space<hbm>>
      tpu.enqueue_dma source(%dma_start3A_45 : memref<32xi32, #tpu.memory_space<hbm>>) target(%arg9 : memref<32xi32, #tpu.memory_space<vmem>>) target_semaphore(%run_scoped3A : memref<!tpu.dma_semaphore, #tpu.memory_space<semaphore_mem>>)
      %dma_wait3A_46 = tpu.memref_slice %arg4[%add3A_24] : memref<2048xi32, #tpu.memory_space<hbm>> -> memref<32xi32, #tpu.memory_space<hbm>>
      %dma_wait3A_47 = tpu.memref_slice %arg4[%add3A_24] : memref<2048xi32, #tpu.memory_space<hbm>> -> memref<32xi32, #tpu.memory_space<hbm>>
      tpu.wait_dma2 semaphore(%run_scoped3A : memref<!tpu.dma_semaphore, #tpu.memory_space<semaphore_mem>>) src(%dma_wait3A_47 : memref<32xi32, #tpu.memory_space<hbm>>) dst(%arg9 : memref<32xi32, #tpu.memory_space<vmem>>)
      tpu.yield
    }) : () -> ()
    "tpu.region"() ({
      %run_scoped3A = tpu.sem_alloc : memref<!tpu.dma_semaphore, #tpu.memory_space<semaphore_mem>>
      %dma_start3A_44 = arith.constant 0 : i32
      %dma_start3A_45 = tpu.memref_slice %arg5[%add3A_24, %dma_start3A_44] : memref<2048x16xf32, #tpu.memory_space<hbm>> -> memref<32x16xf32, #tpu.memory_space<hbm>>
      %dma_start3A_46 = arith.constant 0 : i32
      %dma_start3A_47 = tpu.memref_slice %arg5[%add3A_24, %dma_start3A_46] : memref<2048x16xf32, #tpu.memory_space<hbm>> -> memref<32x16xf32, #tpu.memory_space<hbm>>
      tpu.enqueue_dma source(%dma_start3A_47 : memref<32x16xf32, #tpu.memory_space<hbm>>) target(%arg10 : memref<32x16xf32, #tpu.memory_space<vmem>>) target_semaphore(%run_scoped3A : memref<!tpu.dma_semaphore, #tpu.memory_space<semaphore_mem>>)
      %dma_wait3A_48 = arith.constant 0 : i32
      %dma_wait3A_49 = tpu.memref_slice %arg5[%add3A_24, %dma_wait3A_48] : memref<2048x16xf32, #tpu.memory_space<hbm>> -> memref<32x16xf32, #tpu.memory_space<hbm>>
      %dma_wait3A_50 = arith.constant 0 : i32
      %dma_wait3A_51 = tpu.memref_slice %arg5[%add3A_24, %dma_wait3A_50] : memref<2048x16xf32, #tpu.memory_space<hbm>> -> memref<32x16xf32, #tpu.memory_space<hbm>>
      tpu.wait_dma2 semaphore(%run_scoped3A : memref<!tpu.dma_semaphore, #tpu.memory_space<semaphore_mem>>) src(%dma_wait3A_51 : memref<32x16xf32, #tpu.memory_space<hbm>>) dst(%arg10 : memref<32x16xf32, #tpu.memory_space<vmem>>)
      tpu.yield
    }) : () -> ()
    "tpu.region"() ({
      %run_scoped3A = tpu.sem_alloc : memref<!tpu.dma_semaphore, #tpu.memory_space<semaphore_mem>>
      %dma_start3A_44 = arith.constant 0 : i32
      %dma_start3A_45 = tpu.memref_slice %arg6[%add3A_24, %dma_start3A_44] : memref<2048x16xf32, #tpu.memory_space<hbm>> -> memref<32x16xf32, #tpu.memory_space<hbm>>
      %dma_start3A_46 = arith.constant 0 : i32
      %dma_start3A_47 = tpu.memref_slice %arg6[%add3A_24, %dma_start3A_46] : memref<2048x16xf32, #tpu.memory_space<hbm>> -> memref<32x16xf32, #tpu.memory_space<hbm>>
      tpu.enqueue_dma source(%dma_start3A_47 : memref<32x16xf32, #tpu.memory_space<hbm>>) target(%arg11 : memref<32x16xf32, #tpu.memory_space<vmem>>) target_semaphore(%run_scoped3A : memref<!tpu.dma_semaphore, #tpu.memory_space<semaphore_mem>>)
      %dma_wait3A_48 = arith.constant 0 : i32
      %dma_wait3A_49 = tpu.memref_slice %arg6[%add3A_24, %dma_wait3A_48] : memref<2048x16xf32, #tpu.memory_space<hbm>> -> memref<32x16xf32, #tpu.memory_space<hbm>>
      %dma_wait3A_50 = arith.constant 0 : i32
      %dma_wait3A_51 = tpu.memref_slice %arg6[%add3A_24, %dma_wait3A_50] : memref<2048x16xf32, #tpu.memory_space<hbm>> -> memref<32x16xf32, #tpu.memory_space<hbm>>
      tpu.wait_dma2 semaphore(%run_scoped3A : memref<!tpu.dma_semaphore, #tpu.memory_space<semaphore_mem>>) src(%dma_wait3A_51 : memref<32x16xf32, #tpu.memory_space<hbm>>) dst(%arg11 : memref<32x16xf32, #tpu.memory_space<vmem>>)
      tpu.yield
    }) : () -> ()
    %dma_start3A_25 = arith.constant 0 : i32
    %dma_start3A_26 = arith.constant 0 : i32
    %dma_start3A_27 = tpu.memref_slice %arg2[%dma_start3A_25, %dma_start3A_26] : memref<5120x1024xf32, #tpu.memory_space<hbm>> -> memref<5120x1024xf32, #tpu.memory_space<hbm>>
    tpu.enqueue_indirect_dma source(%dma_start3A_27 : memref<5120x1024xf32, #tpu.memory_space<hbm>>) target(%arg12 : memref<32x1024xf32, #tpu.memory_space<vmem>>) offsets(%arg8 : memref<32xi32, #tpu.memory_space<vmem>>) semaphore(%arg15 : memref<!tpu.dma_semaphore, #tpu.memory_space<semaphore_mem>>)
    %dma_start3A_28 = arith.constant 0 : i32
    %dma_start3A_29 = arith.constant 0 : i32
    %dma_start3A_30 = tpu.memref_slice %arg2[%dma_start3A_28, %dma_start3A_29] : memref<5120x1024xf32, #tpu.memory_space<hbm>> -> memref<5120x1024xf32, #tpu.memory_space<hbm>>
    tpu.enqueue_indirect_dma source(%dma_start3A_30 : memref<5120x1024xf32, #tpu.memory_space<hbm>>) target(%arg13 : memref<32x1024xf32, #tpu.memory_space<vmem>>) offsets(%arg9 : memref<32xi32, #tpu.memory_space<vmem>>) semaphore(%arg16 : memref<!tpu.dma_semaphore, #tpu.memory_space<semaphore_mem>>)
    %dma_wait3A_31 = arith.constant 0 : i32
    %dma_wait3A_32 = arith.constant 0 : i32
    %dma_wait3A_33 = tpu.memref_slice %arg2[%dma_wait3A_31, %dma_wait3A_32] : memref<5120x1024xf32, #tpu.memory_space<hbm>> -> memref<5120x1024xf32, #tpu.memory_space<hbm>>
    tpu.wait_indirect_dma semaphore(%arg15 : memref<!tpu.dma_semaphore, #tpu.memory_space<semaphore_mem>>) src(%dma_wait3A_33 : memref<5120x1024xf32, #tpu.memory_space<hbm>>) dst(%arg12 : memref<32x1024xf32, #tpu.memory_space<vmem>>)
    %dma_wait3A_34 = arith.constant 0 : i32
    %dma_wait3A_35 = arith.constant 0 : i32
    %dma_wait3A_36 = tpu.memref_slice %arg2[%dma_wait3A_34, %dma_wait3A_35] : memref<5120x1024xf32, #tpu.memory_space<hbm>> -> memref<5120x1024xf32, #tpu.memory_space<hbm>>
    tpu.wait_indirect_dma semaphore(%arg16 : memref<!tpu.dma_semaphore, #tpu.memory_space<semaphore_mem>>) src(%dma_wait3A_36 : memref<5120x1024xf32, #tpu.memory_space<hbm>>) dst(%arg13 : memref<32x1024xf32, #tpu.memory_space<vmem>>)
    %scan3A_37 = arith.constant 0 : i32
    %scan3A_38 = arith.constant 0 : i32
    %scan3A_39 = arith.constant 32 : i32
    %scan3A_40 = arith.addi %scan3A_38, %scan3A_39 : i32
    %scan3A_41 = arith.constant 1 : i32
    %scan3A_42 = scf.for %scan3A_44 = %scan3A_38 to %scan3A_40 step %scan3A_41 iter_args(%scan3A_45 = %scan3A_37) -> (i32)  : i32 {
      %get3A = arith.index_cast %scan3A_44 : i32 to index
      %get3A_46 = arith.constant 0 : index
      %get3A_47 = tpu.vector_load %arg10[%get3A, %get3A_46] {strides = array<i32>} : memref<32x16xf32, #tpu.memory_space<vmem>>, vector<1x16xf32>,
      %get3A_48 = vector.shape_cast %get3A_47 : vector<1x16xf32> to vector<16xf32>
      %get3A_49 = arith.index_cast %scan3A_44 : i32 to index
      %get3A_50 = arith.constant 0 : index
      %get3A_51 = tpu.vector_load %arg11[%get3A_49, %get3A_50] {strides = array<i32>} : memref<32x16xf32, #tpu.memory_space<vmem>>, vector<1x16xf32>,
      %get3A_52 = vector.shape_cast %get3A_51 : vector<1x16xf32> to vector<16xf32>
      %scan3A_53 = arith.constant 0 : i32
      %scan3A_54 = arith.constant 0 : i32
      %scan3A_55 = arith.constant 64 : i32
      %scan3A_56 = arith.addi %scan3A_54, %scan3A_55 : i32
      %scan3A_57 = arith.constant 1 : i32
      %scan3A_58 = scf.for %scan3A_60 = %scan3A_54 to %scan3A_56 step %scan3A_57 iter_args(%scan3A_61 = %scan3A_53) -> (i32)  : i32 {
        %mul3A_62 = arith.constant 16 : i32
        %mul3A_63 = arith.muli %scan3A_60, %mul3A_62 : i32
        %get3A_64 = arith.index_cast %scan3A_44 : i32 to index
        %get3A_65 = arith.index_cast %mul3A_63 : i32 to index
        %get3A_66 = tpu.vector_load %arg12[%get3A_64, %get3A_65] {strides = array<i32>} : memref<32x1024xf32, #tpu.memory_space<vmem>>, vector<1x16xf32>,
        %get3A_67 = vector.shape_cast %get3A_66 : vector<1x16xf32> to vector<16xf32>
        %mul3A_68 = arith.constant 16 : i32
        %mul3A_69 = arith.muli %scan3A_60, %mul3A_68 : i32
        %get3A_70 = arith.index_cast %scan3A_44 : i32 to index
        %get3A_71 = arith.index_cast %mul3A_69 : i32 to index
        %get3A_72 = tpu.vector_load %arg13[%get3A_70, %get3A_71] {strides = array<i32>} : memref<32x1024xf32, #tpu.memory_space<vmem>>, vector<1x16xf32>,
        %get3A_73 = vector.shape_cast %get3A_72 : vector<1x16xf32> to vector<16xf32>
        %mul3A_74 = arith.mulf %get3A_67, %get3A_48 : vector<16xf32>
        %mul3A_75 = arith.mulf %get3A_73, %get3A_52 : vector<16xf32>
        %add3A_76 = arith.addf %mul3A_74, %mul3A_75 : vector<16xf32>
        %mul3A_77 = arith.constant 16 : i32
        %mul3A_78 = arith.muli %scan3A_60, %mul3A_77 : i32
        %swap3A = arith.index_cast %scan3A_44 : i32 to index
        %swap3A_79 = arith.index_cast %mul3A_78 : i32 to index
        %swap3A_80 = tpu.vector_load %arg14[%swap3A, %swap3A_79] {strides = array<i32>} : memref<32x1024xf32, #tpu.memory_space<vmem>>, vector<1x16xf32>,
        %swap3A_81 = vector.shape_cast %swap3A_80 : vector<1x16xf32> to vector<16xf32>
        %swap3A_82 = vector.shape_cast %add3A_76 : vector<16xf32> to vector<1x16xf32>
        tpu.vector_store %arg14[%swap3A, %swap3A_79], %swap3A_82 {strides = array<i32>} : memref<32x1024xf32, #tpu.memory_space<vmem>>, vector<1x16xf32>,
        %scan3A_83 = arith.constant 0 : i32
        scf.yield %scan3A_83 : i32
      }
      %scan3A_59 = arith.constant 64 : i32
      scf.yield %scan3A_58 : i32
    }
    %scan3A_43 = arith.constant 32 : i32
    "tpu.region"() ({
      %run_scoped3A = tpu.sem_alloc : memref<!tpu.dma_semaphore, #tpu.memory_space<semaphore_mem>>
      %dma_start3A_44 = arith.constant 0 : i32
      %dma_start3A_45 = tpu.memref_slice %arg7[%add3A_24, %dma_start3A_44] : memref<2048x1024xf32, #tpu.memory_space<hbm>> -> memref<32x1024xf32, #tpu.memory_space<hbm>>
      %dma_start3A_46 = arith.constant 0 : i32
      %dma_start3A_47 = tpu.memref_slice %arg7[%add3A_24, %dma_start3A_46] : memref<2048x1024xf32, #tpu.memory_space<hbm>> -> memref<32x1024xf32, #tpu.memory_space<hbm>>
      tpu.enqueue_dma source(%arg14 : memref<32x1024xf32, #tpu.memory_space<vmem>>) target(%dma_start3A_47 : memref<32x1024xf32, #tpu.memory_space<hbm>>) target_semaphore(%run_scoped3A : memref<!tpu.dma_semaphore, #tpu.memory_space<semaphore_mem>>)
      %dma_wait3A_48 = arith.constant 0 : i32
      %dma_wait3A_49 = tpu.memref_slice %arg7[%add3A_24, %dma_wait3A_48] : memref<2048x1024xf32, #tpu.memory_space<hbm>> -> memref<32x1024xf32, #tpu.memory_space<hbm>>
      %dma_wait3A_50 = arith.constant 0 : i32
      %dma_wait3A_51 = tpu.memref_slice %arg7[%add3A_24, %dma_wait3A_50] : memref<2048x1024xf32, #tpu.memory_space<hbm>> -> memref<32x1024xf32, #tpu.memory_space<hbm>>
      tpu.wait_dma2 semaphore(%run_scoped3A : memref<!tpu.dma_semaphore, #tpu.memory_space<semaphore_mem>>) src(%arg14 : memref<32x1024xf32, #tpu.memory_space<vmem>>) dst(%dma_wait3A_51 : memref<32x1024xf32, #tpu.memory_space<hbm>>)
      tpu.yield
    }) : () -> ()
    return
  }
}

#map = affine_map<(d0, d1) -> (0, 0)>
#map1 = affine_map<(d0, d1) -> (0)>
module attributes {stable_mosaic.version = 14 : i64} {
  func.func @_dispatch_body(%arg0: i32, %arg1: i32, %arg2: memref<2048x1024xf32, #tpu.memory_space<hbm>>, %arg3: memref<2048xi32, #tpu.memory_space<hbm>>, %arg4: memref<2048xi32, #tpu.memory_space<hbm>>, %arg5: memref<5120x1024xf32, #tpu.memory_space<hbm>>, %arg6: memref<64xi32, #tpu.memory_space<vmem>>, %arg7: memref<64xi32, #tpu.memory_space<vmem>>, %arg8: memref<64x1024xf32, #tpu.memory_space<vmem>>, %arg9: memref<!tpu.dma_semaphore, #tpu.memory_space<semaphore_mem>>, %arg10: memref<!tpu.dma_semaphore, #tpu.memory_space<semaphore_mem>>, %arg11: memref<!tpu.dma_semaphore, #tpu.memory_space<semaphore_mem>>) attributes {dimension_semantics = [#tpu.dimension_semantics<core_parallel>, #tpu.dimension_semantics<subcore_parallel>], iteration_bounds = array<i64: 2, 16>, scalar_prefetch = 0 : i64, scratch_operands = 6 : i64, tpu.core_type = #tpu.core_type<sc_vector_subcore>, window_params = [{transform_indices = #map}, {transform_indices = #map1}, {transform_indices = #map1}, {transform_indices = #map}]} {
    %mul3A = arith.constant 2 : i32
    %mul3A_0 = arith.muli %arg1, %mul3A : i32
    %add3A = arith.addi %mul3A_0, %arg0 : i32
    %mul3A_1 = arith.constant 64 : i32
    %mul3A_2 = arith.muli %add3A, %mul3A_1 : i32
    %dma_start3A = tpu.memref_slice %arg3[%mul3A_2] : memref<2048xi32, #tpu.memory_space<hbm>> -> memref<64xi32, #tpu.memory_space<hbm>>
    %dma_start3A_3 = tpu.memref_slice %arg3[%mul3A_2] : memref<2048xi32, #tpu.memory_space<hbm>> -> memref<64xi32, #tpu.memory_space<hbm>>
    tpu.enqueue_dma source(%dma_start3A_3 : memref<64xi32, #tpu.memory_space<hbm>>) target(%arg6 : memref<64xi32, #tpu.memory_space<vmem>>) target_semaphore(%arg9 : memref<!tpu.dma_semaphore, #tpu.memory_space<semaphore_mem>>)
    %dma_start3A_4 = tpu.memref_slice %arg4[%mul3A_2] : memref<2048xi32, #tpu.memory_space<hbm>> -> memref<64xi32, #tpu.memory_space<hbm>>
    %dma_start3A_5 = tpu.memref_slice %arg4[%mul3A_2] : memref<2048xi32, #tpu.memory_space<hbm>> -> memref<64xi32, #tpu.memory_space<hbm>>
    tpu.enqueue_dma source(%dma_start3A_5 : memref<64xi32, #tpu.memory_space<hbm>>) target(%arg7 : memref<64xi32, #tpu.memory_space<vmem>>) target_semaphore(%arg10 : memref<!tpu.dma_semaphore, #tpu.memory_space<semaphore_mem>>)
    %dma_start3A_6 = arith.constant 0 : i32
    %dma_start3A_7 = tpu.memref_slice %arg2[%mul3A_2, %dma_start3A_6] : memref<2048x1024xf32, #tpu.memory_space<hbm>> -> memref<64x1024xf32, #tpu.memory_space<hbm>>
    %dma_start3A_8 = arith.constant 0 : i32
    %dma_start3A_9 = tpu.memref_slice %arg2[%mul3A_2, %dma_start3A_8] : memref<2048x1024xf32, #tpu.memory_space<hbm>> -> memref<64x1024xf32, #tpu.memory_space<hbm>>
    tpu.enqueue_dma source(%dma_start3A_9 : memref<64x1024xf32, #tpu.memory_space<hbm>>) target(%arg8 : memref<64x1024xf32, #tpu.memory_space<vmem>>) target_semaphore(%arg11 : memref<!tpu.dma_semaphore, #tpu.memory_space<semaphore_mem>>)
    %dma_wait3A = tpu.memref_slice %arg3[%mul3A_2] : memref<2048xi32, #tpu.memory_space<hbm>> -> memref<64xi32, #tpu.memory_space<hbm>>
    %dma_wait3A_10 = tpu.memref_slice %arg3[%mul3A_2] : memref<2048xi32, #tpu.memory_space<hbm>> -> memref<64xi32, #tpu.memory_space<hbm>>
    tpu.wait_dma2 semaphore(%arg9 : memref<!tpu.dma_semaphore, #tpu.memory_space<semaphore_mem>>) src(%dma_wait3A_10 : memref<64xi32, #tpu.memory_space<hbm>>) dst(%arg6 : memref<64xi32, #tpu.memory_space<vmem>>)
    %dma_wait3A_11 = tpu.memref_slice %arg4[%mul3A_2] : memref<2048xi32, #tpu.memory_space<hbm>> -> memref<64xi32, #tpu.memory_space<hbm>>
    %dma_wait3A_12 = tpu.memref_slice %arg4[%mul3A_2] : memref<2048xi32, #tpu.memory_space<hbm>> -> memref<64xi32, #tpu.memory_space<hbm>>
    tpu.wait_dma2 semaphore(%arg10 : memref<!tpu.dma_semaphore, #tpu.memory_space<semaphore_mem>>) src(%dma_wait3A_12 : memref<64xi32, #tpu.memory_space<hbm>>) dst(%arg7 : memref<64xi32, #tpu.memory_space<vmem>>)
    %dma_wait3A_13 = arith.constant 0 : i32
    %dma_wait3A_14 = tpu.memref_slice %arg2[%mul3A_2, %dma_wait3A_13] : memref<2048x1024xf32, #tpu.memory_space<hbm>> -> memref<64x1024xf32, #tpu.memory_space<hbm>>
    %dma_wait3A_15 = arith.constant 0 : i32
    %dma_wait3A_16 = tpu.memref_slice %arg2[%mul3A_2, %dma_wait3A_15] : memref<2048x1024xf32, #tpu.memory_space<hbm>> -> memref<64x1024xf32, #tpu.memory_space<hbm>>
    tpu.wait_dma2 semaphore(%arg11 : memref<!tpu.dma_semaphore, #tpu.memory_space<semaphore_mem>>) src(%dma_wait3A_16 : memref<64x1024xf32, #tpu.memory_space<hbm>>) dst(%arg8 : memref<64x1024xf32, #tpu.memory_space<vmem>>)
    %dma_start3A_17 = arith.constant 0 : i32
    %dma_start3A_18 = arith.constant 0 : i32
    %dma_start3A_19 = tpu.memref_slice %arg5[%dma_start3A_17, %dma_start3A_18] : memref<5120x1024xf32, #tpu.memory_space<hbm>> -> memref<5120x1024xf32, #tpu.memory_space<hbm>>
    tpu.enqueue_indirect_dma source(%arg8 : memref<64x1024xf32, #tpu.memory_space<vmem>>) target(%dma_start3A_19 : memref<5120x1024xf32, #tpu.memory_space<hbm>>) offsets(%arg6 : memref<64xi32, #tpu.memory_space<vmem>>) semaphore(%arg9 : memref<!tpu.dma_semaphore, #tpu.memory_space<semaphore_mem>>)
    %dma_start3A_20 = arith.constant 0 : i32
    %dma_start3A_21 = arith.constant 0 : i32
    %dma_start3A_22 = tpu.memref_slice %arg5[%dma_start3A_20, %dma_start3A_21] : memref<5120x1024xf32, #tpu.memory_space<hbm>> -> memref<5120x1024xf32, #tpu.memory_space<hbm>>
    tpu.enqueue_indirect_dma source(%arg8 : memref<64x1024xf32, #tpu.memory_space<vmem>>) target(%dma_start3A_22 : memref<5120x1024xf32, #tpu.memory_space<hbm>>) offsets(%arg7 : memref<64xi32, #tpu.memory_space<vmem>>) semaphore(%arg10 : memref<!tpu.dma_semaphore, #tpu.memory_space<semaphore_mem>>)
    %dma_wait3A_23 = arith.constant 0 : i32
    %dma_wait3A_24 = arith.constant 0 : i32
    %dma_wait3A_25 = tpu.memref_slice %arg5[%dma_wait3A_23, %dma_wait3A_24] : memref<5120x1024xf32, #tpu.memory_space<hbm>> -> memref<5120x1024xf32, #tpu.memory_space<hbm>>
    tpu.wait_indirect_dma semaphore(%arg9 : memref<!tpu.dma_semaphore, #tpu.memory_space<semaphore_mem>>) src(%arg8 : memref<64x1024xf32, #tpu.memory_space<vmem>>) dst(%dma_wait3A_25 : memref<5120x1024xf32, #tpu.memory_space<hbm>>)
    %dma_wait3A_26 = arith.constant 0 : i32
    %dma_wait3A_27 = arith.constant 0 : i32
    %dma_wait3A_28 = tpu.memref_slice %arg5[%dma_wait3A_26, %dma_wait3A_27] : memref<5120x1024xf32, #tpu.memory_space<hbm>> -> memref<5120x1024xf32, #tpu.memory_space<hbm>>
    tpu.wait_indirect_dma semaphore(%arg10 : memref<!tpu.dma_semaphore, #tpu.memory_space<semaphore_mem>>) src(%arg8 : memref<64x1024xf32, #tpu.memory_space<vmem>>) dst(%dma_wait3A_28 : memref<5120x1024xf32, #tpu.memory_space<hbm>>)
    return
  }
}

module attributes {stable_mosaic.version = 14 : i64} {
  func.func @_route_kernel(%arg0: memref<2048x1024xf32, #tpu.memory_space<vmem>>, %arg1: memref<1024x8xf32, #tpu.memory_space<vmem>>, %arg2: memref<2048xi32, #tpu.memory_space<vmem>>, %arg3: memref<2048xi32, #tpu.memory_space<vmem>>, %arg4: memref<2048x16xf32, #tpu.memory_space<vmem>>, %arg5: memref<2048x16xf32, #tpu.memory_space<vmem>>, %arg6: memref<64xi32, #tpu.memory_space<vmem>>) attributes {dimension_semantics = [], scalar_prefetch = 0 : i64, scratch_operands = 0 : i64, tpu.core_type = #tpu.core_type<tc>} {
    %get3A = arith.constant 0 : index
    %get3A_0 = arith.constant 0 : index
    %get3A_1 = vector.load %arg0[%get3A, %get3A_0] : memref<2048x1024xf32, #tpu.memory_space<vmem>>, vector<2048x1024xf32>
    %get3A_2 = arith.constant 0 : index
    %get3A_3 = arith.constant 0 : index
    %get3A_4 = vector.load %arg1[%get3A_2, %get3A_3] : memref<1024x8xf32, #tpu.memory_space<vmem>>, vector<1024x8xf32>
    %dot_general3A = arith.constant dense<0.000000e+00> : vector<2048x8xf32>
    %dot_general3A_5 = tpu.matmul %get3A_1, %get3A_4, %dot_general3A {dimension_numbers = #tpu.dot_dimension_numbers<[1], [0], [0], [1], [0, 0, 1, 1], [], []>, transpose_lhs_hint = false} : vector<2048x1024xf32>, vector<1024x8xf32>, vector<2048x8xf32> -> vector<2048x8xf32>
    %reduce_max3A = arith.constant dense<0xFF800000> : vector<2048xf32>
    %reduce_max3A_6 = vector.multi_reduction <maximumf>, %dot_general3A_5, %reduce_max3A [1] : vector<2048x8xf32> to vector<2048xf32>
    %max3A = arith.constant 0xFF800000 : f32
    %max3A_7 = vector.broadcast %max3A : f32 to vector<2048xf32>
    %max3A_8 = arith.maximumf %max3A_7, %reduce_max3A_6 : vector<2048xf32>
    %broadcast_in_dim3A = vector.shape_cast %max3A_8 : vector<2048xf32> to vector<2048x1xf32>
    %sub3A = vector.broadcast %broadcast_in_dim3A : vector<2048x1xf32> to vector<2048x8xf32>
    %sub3A_9 = arith.subf %dot_general3A_5, %sub3A : vector<2048x8xf32>
    %exp3A = math.exp %sub3A_9 : vector<2048x8xf32>
    %reduce_sum3A = arith.constant dense<0.000000e+00> : vector<2048xf32>
    %reduce_sum3A_10 = vector.multi_reduction <add>, %exp3A, %reduce_sum3A [1] : vector<2048x8xf32> to vector<2048xf32>
    %broadcast_in_dim3A_11 = vector.shape_cast %reduce_sum3A_10 : vector<2048xf32> to vector<2048x1xf32>
    %div3A = vector.broadcast %broadcast_in_dim3A_11 : vector<2048x1xf32> to vector<2048x8xf32>
    %div3A_12 = arith.divf %exp3A, %div3A : vector<2048x8xf32>
    %argmax3A = tpu.reduce_index %div3A_12 {axis = 1 : i32, kind = #tpu.reduction_kind<arg_max>} : vector<2048x8xf32> -> vector<2048xi32>
    %iota3A = tpu.iota {dimensions = array<i32: 1>} : vector<2048x8xi32>
    %broadcast_in_dim3A_13 = vector.shape_cast %argmax3A : vector<2048xi32> to vector<2048x1xi32>
    %eq3A = vector.broadcast %broadcast_in_dim3A_13 : vector<2048x1xi32> to vector<2048x8xi32>
    %eq3A_14 = arith.cmpi eq, %iota3A, %eq3A : vector<2048x8xi32>
    %jit3A = arith.constant 0xFF800000 : f32
    %broadcast_in_dim3A_15 = vector.broadcast %jit3A : f32 to vector<2048x8xf32>
    %select_n3A = arith.select %eq3A_14, %broadcast_in_dim3A_15, %div3A_12 : vector<2048x8xi1>, vector<2048x8xf32>
    %argmax3A_16 = tpu.reduce_index %select_n3A {axis = 1 : i32, kind = #tpu.reduction_kind<arg_max>} : vector<2048x8xf32> -> vector<2048xi32>
    %reduce_max3A_17 = arith.constant dense<0xFF800000> : vector<2048xf32>
    %reduce_max3A_18 = vector.multi_reduction <maximumf>, %div3A_12, %reduce_max3A_17 [1] : vector<2048x8xf32> to vector<2048xf32>
    %reduce_max3A_19 = arith.constant dense<0xFF800000> : vector<2048xf32>
    %reduce_max3A_20 = vector.multi_reduction <maximumf>, %select_n3A, %reduce_max3A_19 [1] : vector<2048x8xf32> to vector<2048xf32>
    %add3A = arith.addf %reduce_max3A_18, %reduce_max3A_20 : vector<2048xf32>
    %div3A_21 = arith.divf %reduce_max3A_18, %add3A : vector<2048xf32>
    %div3A_22 = arith.divf %reduce_max3A_20, %add3A : vector<2048xf32>
    %broadcast_in_dim3A_23 = vector.shape_cast %argmax3A : vector<2048xi32> to vector<2048x1xi32>
    %eq3A_24 = vector.broadcast %broadcast_in_dim3A_23 : vector<2048x1xi32> to vector<2048x8xi32>
    %eq3A_25 = arith.cmpi eq, %iota3A, %eq3A_24 : vector<2048x8xi32>
    %convert_element_type3A = arith.extui %eq3A_25 : vector<2048x8xi1> to vector<2048x8xi32>
    %convert_element_type3A_26 = arith.sitofp %convert_element_type3A : vector<2048x8xi32> to vector<2048x8xf32>
    %convert_element_type3A_27 = arith.truncf %convert_element_type3A_26 : vector<2048x8xf32> to vector<2048x8xbf16>
    %broadcast_in_dim3A_28 = vector.shape_cast %argmax3A_16 : vector<2048xi32> to vector<2048x1xi32>
    %eq3A_29 = vector.broadcast %broadcast_in_dim3A_28 : vector<2048x1xi32> to vector<2048x8xi32>
    %eq3A_30 = arith.cmpi eq, %iota3A, %eq3A_29 : vector<2048x8xi32>
    %convert_element_type3A_31 = arith.extui %eq3A_30 : vector<2048x8xi1> to vector<2048x8xi32>
    %convert_element_type3A_32 = arith.sitofp %convert_element_type3A_31 : vector<2048x8xi32> to vector<2048x8xf32>
    %convert_element_type3A_33 = arith.truncf %convert_element_type3A_32 : vector<2048x8xf32> to vector<2048x8xbf16>
    %concatenate3A = tpu.concatenate %convert_element_type3A_27, %convert_element_type3A_33 in 1 : vector<2048x8xbf16>, vector<2048x8xbf16> -> vector<2048x16xbf16>
    %reshape3A = vector.shape_cast %concatenate3A : vector<2048x16xbf16> to vector<16x128x16xbf16>
    %iota3A_34 = tpu.iota {dimensions = array<i32: 0>} : vector<128x128xi32>
    %iota3A_35 = tpu.iota {dimensions = array<i32: 1>} : vector<128x128xi32>
    %lt3A = arith.cmpi slt, %iota3A_35, %iota3A_34 : vector<128x128xi32>
    %convert_element_type3A_36 = arith.extui %lt3A : vector<128x128xi1> to vector<128x128xi32>
    %convert_element_type3A_37 = arith.sitofp %convert_element_type3A_36 : vector<128x128xi32> to vector<128x128xf32>
    %convert_element_type3A_38 = arith.truncf %convert_element_type3A_37 : vector<128x128xf32> to vector<128x128xbf16>
    %slice3A = vector.extract_strided_slice %reshape3A {offsets = [0, 0, 0], sizes = [1, 128, 16], strides = [1, 1, 1]} : vector<16x128x16xbf16> to vector<1x128x16xbf16>
    %squeeze3A = vector.shape_cast %slice3A : vector<1x128x16xbf16> to vector<128x16xbf16>
    %dot_general3A_39 = arith.constant dense<0.000000e+00> : vector<128x16xf32>
    %dot_general3A_40 = tpu.matmul %convert_element_type3A_38, %squeeze3A, %dot_general3A_39 {dimension_numbers = #tpu.dot_dimension_numbers<[1], [0], [0], [1], [0, 0, 1, 1], [], []>, transpose_lhs_hint = false} : vector<128x128xbf16>, vector<128x16xbf16>, vector<128x16xf32> -> vector<128x16xf32>
    %slice3A_41 = vector.extract_strided_slice %reshape3A {offsets = [1, 0, 0], sizes = [1, 128, 16], strides = [1, 1, 1]} : vector<16x128x16xbf16> to vector<1x128x16xbf16>
    %squeeze3A_42 = vector.shape_cast %slice3A_41 : vector<1x128x16xbf16> to vector<128x16xbf16>
    %dot_general3A_43 = arith.constant dense<0.000000e+00> : vector<128x16xf32>
    %dot_general3A_44 = tpu.matmul %convert_element_type3A_38, %squeeze3A_42, %dot_general3A_43 {dimension_numbers = #tpu.dot_dimension_numbers<[1], [0], [0], [1], [0, 0, 1, 1], [], []>, transpose_lhs_hint = false} : vector<128x128xbf16>, vector<128x16xbf16>, vector<128x16xf32> -> vector<128x16xf32>
    %slice3A_45 = vector.extract_strided_slice %reshape3A {offsets = [2, 0, 0], sizes = [1, 128, 16], strides = [1, 1, 1]} : vector<16x128x16xbf16> to vector<1x128x16xbf16>
    %squeeze3A_46 = vector.shape_cast %slice3A_45 : vector<1x128x16xbf16> to vector<128x16xbf16>
    %dot_general3A_47 = arith.constant dense<0.000000e+00> : vector<128x16xf32>
    %dot_general3A_48 = tpu.matmul %convert_element_type3A_38, %squeeze3A_46, %dot_general3A_47 {dimension_numbers = #tpu.dot_dimension_numbers<[1], [0], [0], [1], [0, 0, 1, 1], [], []>, transpose_lhs_hint = false} : vector<128x128xbf16>, vector<128x16xbf16>, vector<128x16xf32> -> vector<128x16xf32>
    %slice3A_49 = vector.extract_strided_slice %reshape3A {offsets = [3, 0, 0], sizes = [1, 128, 16], strides = [1, 1, 1]} : vector<16x128x16xbf16> to vector<1x128x16xbf16>
    %squeeze3A_50 = vector.shape_cast %slice3A_49 : vector<1x128x16xbf16> to vector<128x16xbf16>
    %dot_general3A_51 = arith.constant dense<0.000000e+00> : vector<128x16xf32>
    %dot_general3A_52 = tpu.matmul %convert_element_type3A_38, %squeeze3A_50, %dot_general3A_51 {dimension_numbers = #tpu.dot_dimension_numbers<[1], [0], [0], [1], [0, 0, 1, 1], [], []>, transpose_lhs_hint = false} : vector<128x128xbf16>, vector<128x16xbf16>, vector<128x16xf32> -> vector<128x16xf32>
    %slice3A_53 = vector.extract_strided_slice %reshape3A {offsets = [4, 0, 0], sizes = [1, 128, 16], strides = [1, 1, 1]} : vector<16x128x16xbf16> to vector<1x128x16xbf16>
    %squeeze3A_54 = vector.shape_cast %slice3A_53 : vector<1x128x16xbf16> to vector<128x16xbf16>
    %dot_general3A_55 = arith.constant dense<0.000000e+00> : vector<128x16xf32>
    %dot_general3A_56 = tpu.matmul %convert_element_type3A_38, %squeeze3A_54, %dot_general3A_55 {dimension_numbers = #tpu.dot_dimension_numbers<[1], [0], [0], [1], [0, 0, 1, 1], [], []>, transpose_lhs_hint = false} : vector<128x128xbf16>, vector<128x16xbf16>, vector<128x16xf32> -> vector<128x16xf32>
    %slice3A_57 = vector.extract_strided_slice %reshape3A {offsets = [5, 0, 0], sizes = [1, 128, 16], strides = [1, 1, 1]} : vector<16x128x16xbf16> to vector<1x128x16xbf16>
    %squeeze3A_58 = vector.shape_cast %slice3A_57 : vector<1x128x16xbf16> to vector<128x16xbf16>
    %dot_general3A_59 = arith.constant dense<0.000000e+00> : vector<128x16xf32>
    %dot_general3A_60 = tpu.matmul %convert_element_type3A_38, %squeeze3A_58, %dot_general3A_59 {dimension_numbers = #tpu.dot_dimension_numbers<[1], [0], [0], [1], [0, 0, 1, 1], [], []>, transpose_lhs_hint = false} : vector<128x128xbf16>, vector<128x16xbf16>, vector<128x16xf32> -> vector<128x16xf32>
    %slice3A_61 = vector.extract_strided_slice %reshape3A {offsets = [6, 0, 0], sizes = [1, 128, 16], strides = [1, 1, 1]} : vector<16x128x16xbf16> to vector<1x128x16xbf16>
    %squeeze3A_62 = vector.shape_cast %slice3A_61 : vector<1x128x16xbf16> to vector<128x16xbf16>
    %dot_general3A_63 = arith.constant dense<0.000000e+00> : vector<128x16xf32>
    %dot_general3A_64 = tpu.matmul %convert_element_type3A_38, %squeeze3A_62, %dot_general3A_63 {dimension_numbers = #tpu.dot_dimension_numbers<[1], [0], [0], [1], [0, 0, 1, 1], [], []>, transpose_lhs_hint = false} : vector<128x128xbf16>, vector<128x16xbf16>, vector<128x16xf32> -> vector<128x16xf32>
    %slice3A_65 = vector.extract_strided_slice %reshape3A {offsets = [7, 0, 0], sizes = [1, 128, 16], strides = [1, 1, 1]} : vector<16x128x16xbf16> to vector<1x128x16xbf16>
    %squeeze3A_66 = vector.shape_cast %slice3A_65 : vector<1x128x16xbf16> to vector<128x16xbf16>
    %dot_general3A_67 = arith.constant dense<0.000000e+00> : vector<128x16xf32>
    %dot_general3A_68 = tpu.matmul %convert_element_type3A_38, %squeeze3A_66, %dot_general3A_67 {dimension_numbers = #tpu.dot_dimension_numbers<[1], [0], [0], [1], [0, 0, 1, 1], [], []>, transpose_lhs_hint = false} : vector<128x128xbf16>, vector<128x16xbf16>, vector<128x16xf32> -> vector<128x16xf32>
    %slice3A_69 = vector.extract_strided_slice %reshape3A {offsets = [8, 0, 0], sizes = [1, 128, 16], strides = [1, 1, 1]} : vector<16x128x16xbf16> to vector<1x128x16xbf16>
    %squeeze3A_70 = vector.shape_cast %slice3A_69 : vector<1x128x16xbf16> to vector<128x16xbf16>
    %dot_general3A_71 = arith.constant dense<0.000000e+00> : vector<128x16xf32>
    %dot_general3A_72 = tpu.matmul %convert_element_type3A_38, %squeeze3A_70, %dot_general3A_71 {dimension_numbers = #tpu.dot_dimension_numbers<[1], [0], [0], [1], [0, 0, 1, 1], [], []>, transpose_lhs_hint = false} : vector<128x128xbf16>, vector<128x16xbf16>, vector<128x16xf32> -> vector<128x16xf32>
    %slice3A_73 = vector.extract_strided_slice %reshape3A {offsets = [9, 0, 0], sizes = [1, 128, 16], strides = [1, 1, 1]} : vector<16x128x16xbf16> to vector<1x128x16xbf16>
    %squeeze3A_74 = vector.shape_cast %slice3A_73 : vector<1x128x16xbf16> to vector<128x16xbf16>
    %dot_general3A_75 = arith.constant dense<0.000000e+00> : vector<128x16xf32>
    %dot_general3A_76 = tpu.matmul %convert_element_type3A_38, %squeeze3A_74, %dot_general3A_75 {dimension_numbers = #tpu.dot_dimension_numbers<[1], [0], [0], [1], [0, 0, 1, 1], [], []>, transpose_lhs_hint = false} : vector<128x128xbf16>, vector<128x16xbf16>, vector<128x16xf32> -> vector<128x16xf32>
    %slice3A_77 = vector.extract_strided_slice %reshape3A {offsets = [10, 0, 0], sizes = [1, 128, 16], strides = [1, 1, 1]} : vector<16x128x16xbf16> to vector<1x128x16xbf16>
    %squeeze3A_78 = vector.shape_cast %slice3A_77 : vector<1x128x16xbf16> to vector<128x16xbf16>
    %dot_general3A_79 = arith.constant dense<0.000000e+00> : vector<128x16xf32>
    %dot_general3A_80 = tpu.matmul %convert_element_type3A_38, %squeeze3A_78, %dot_general3A_79 {dimension_numbers = #tpu.dot_dimension_numbers<[1], [0], [0], [1], [0, 0, 1, 1], [], []>, transpose_lhs_hint = false} : vector<128x128xbf16>, vector<128x16xbf16>, vector<128x16xf32> -> vector<128x16xf32>
    %slice3A_81 = vector.extract_strided_slice %reshape3A {offsets = [11, 0, 0], sizes = [1, 128, 16], strides = [1, 1, 1]} : vector<16x128x16xbf16> to vector<1x128x16xbf16>
    %squeeze3A_82 = vector.shape_cast %slice3A_81 : vector<1x128x16xbf16> to vector<128x16xbf16>
    %dot_general3A_83 = arith.constant dense<0.000000e+00> : vector<128x16xf32>
    %dot_general3A_84 = tpu.matmul %convert_element_type3A_38, %squeeze3A_82, %dot_general3A_83 {dimension_numbers = #tpu.dot_dimension_numbers<[1], [0], [0], [1], [0, 0, 1, 1], [], []>, transpose_lhs_hint = false} : vector<128x128xbf16>, vector<128x16xbf16>, vector<128x16xf32> -> vector<128x16xf32>
    %slice3A_85 = vector.extract_strided_slice %reshape3A {offsets = [12, 0, 0], sizes = [1, 128, 16], strides = [1, 1, 1]} : vector<16x128x16xbf16> to vector<1x128x16xbf16>
    %squeeze3A_86 = vector.shape_cast %slice3A_85 : vector<1x128x16xbf16> to vector<128x16xbf16>
    %dot_general3A_87 = arith.constant dense<0.000000e+00> : vector<128x16xf32>
    %dot_general3A_88 = tpu.matmul %convert_element_type3A_38, %squeeze3A_86, %dot_general3A_87 {dimension_numbers = #tpu.dot_dimension_numbers<[1], [0], [0], [1], [0, 0, 1, 1], [], []>, transpose_lhs_hint = false} : vector<128x128xbf16>, vector<128x16xbf16>, vector<128x16xf32> -> vector<128x16xf32>
    %slice3A_89 = vector.extract_strided_slice %reshape3A {offsets = [13, 0, 0], sizes = [1, 128, 16], strides = [1, 1, 1]} : vector<16x128x16xbf16> to vector<1x128x16xbf16>
    %squeeze3A_90 = vector.shape_cast %slice3A_89 : vector<1x128x16xbf16> to vector<128x16xbf16>
    %dot_general3A_91 = arith.constant dense<0.000000e+00> : vector<128x16xf32>
    %dot_general3A_92 = tpu.matmul %convert_element_type3A_38, %squeeze3A_90, %dot_general3A_91 {dimension_numbers = #tpu.dot_dimension_numbers<[1], [0], [0], [1], [0, 0, 1, 1], [], []>, transpose_lhs_hint = false} : vector<128x128xbf16>, vector<128x16xbf16>, vector<128x16xf32> -> vector<128x16xf32>
    %slice3A_93 = vector.extract_strided_slice %reshape3A {offsets = [14, 0, 0], sizes = [1, 128, 16], strides = [1, 1, 1]} : vector<16x128x16xbf16> to vector<1x128x16xbf16>
    %squeeze3A_94 = vector.shape_cast %slice3A_93 : vector<1x128x16xbf16> to vector<128x16xbf16>
    %dot_general3A_95 = arith.constant dense<0.000000e+00> : vector<128x16xf32>
    %dot_general3A_96 = tpu.matmul %convert_element_type3A_38, %squeeze3A_94, %dot_general3A_95 {dimension_numbers = #tpu.dot_dimension_numbers<[1], [0], [0], [1], [0, 0, 1, 1], [], []>, transpose_lhs_hint = false} : vector<128x128xbf16>, vector<128x16xbf16>, vector<128x16xf32> -> vector<128x16xf32>
    %slice3A_97 = vector.extract_strided_slice %reshape3A {offsets = [15, 0, 0], sizes = [1, 128, 16], strides = [1, 1, 1]} : vector<16x128x16xbf16> to vector<1x128x16xbf16>
    %squeeze3A_98 = vector.shape_cast %slice3A_97 : vector<1x128x16xbf16> to vector<128x16xbf16>
    %dot_general3A_99 = arith.constant dense<0.000000e+00> : vector<128x16xf32>
    %dot_general3A_100 = tpu.matmul %convert_element_type3A_38, %squeeze3A_98, %dot_general3A_99 {dimension_numbers = #tpu.dot_dimension_numbers<[1], [0], [0], [1], [0, 0, 1, 1], [], []>, transpose_lhs_hint = false} : vector<128x128xbf16>, vector<128x16xbf16>, vector<128x16xf32> -> vector<128x16xf32>
    %slice3A_101 = vector.extract_strided_slice %dot_general3A_40 {offsets = [127, 0], sizes = [1, 16], strides = [1, 1]} : vector<128x16xf32> to vector<1x16xf32>
    %squeeze3A_102 = vector.shape_cast %slice3A_101 : vector<1x16xf32> to vector<16xf32>
    %slice3A_103 = vector.extract_strided_slice %reshape3A {offsets = [0, 0, 0], sizes = [1, 128, 16], strides = [1, 1, 1]} : vector<16x128x16xbf16> to vector<1x128x16xbf16>
    %squeeze3A_104 = vector.shape_cast %slice3A_103 : vector<1x128x16xbf16> to vector<128x16xbf16>
    %slice3A_105 = vector.extract_strided_slice %squeeze3A_104 {offsets = [127, 0], sizes = [1, 16], strides = [1, 1]} : vector<128x16xbf16> to vector<1x16xbf16>
    %squeeze3A_106 = vector.shape_cast %slice3A_105 : vector<1x16xbf16> to vector<16xbf16>
    %convert_element_type3A_107 = arith.extf %squeeze3A_106 : vector<16xbf16> to vector<16xf32>
    %add3A_108 = arith.addf %squeeze3A_102, %convert_element_type3A_107 : vector<16xf32>
    %slice3A_109 = vector.extract_strided_slice %dot_general3A_44 {offsets = [127, 0], sizes = [1, 16], strides = [1, 1]} : vector<128x16xf32> to vector<1x16xf32>
    %squeeze3A_110 = vector.shape_cast %slice3A_109 : vector<1x16xf32> to vector<16xf32>
    %slice3A_111 = vector.extract_strided_slice %reshape3A {offsets = [1, 0, 0], sizes = [1, 128, 16], strides = [1, 1, 1]} : vector<16x128x16xbf16> to vector<1x128x16xbf16>
    %squeeze3A_112 = vector.shape_cast %slice3A_111 : vector<1x128x16xbf16> to vector<128x16xbf16>
    %slice3A_113 = vector.extract_strided_slice %squeeze3A_112 {offsets = [127, 0], sizes = [1, 16], strides = [1, 1]} : vector<128x16xbf16> to vector<1x16xbf16>
    %squeeze3A_114 = vector.shape_cast %slice3A_113 : vector<1x16xbf16> to vector<16xbf16>
    %convert_element_type3A_115 = arith.extf %squeeze3A_114 : vector<16xbf16> to vector<16xf32>
    %add3A_116 = arith.addf %squeeze3A_110, %convert_element_type3A_115 : vector<16xf32>
    %slice3A_117 = vector.extract_strided_slice %dot_general3A_48 {offsets = [127, 0], sizes = [1, 16], strides = [1, 1]} : vector<128x16xf32> to vector<1x16xf32>
    %squeeze3A_118 = vector.shape_cast %slice3A_117 : vector<1x16xf32> to vector<16xf32>
    %slice3A_119 = vector.extract_strided_slice %reshape3A {offsets = [2, 0, 0], sizes = [1, 128, 16], strides = [1, 1, 1]} : vector<16x128x16xbf16> to vector<1x128x16xbf16>
    %squeeze3A_120 = vector.shape_cast %slice3A_119 : vector<1x128x16xbf16> to vector<128x16xbf16>
    %slice3A_121 = vector.extract_strided_slice %squeeze3A_120 {offsets = [127, 0], sizes = [1, 16], strides = [1, 1]} : vector<128x16xbf16> to vector<1x16xbf16>
    %squeeze3A_122 = vector.shape_cast %slice3A_121 : vector<1x16xbf16> to vector<16xbf16>
    %convert_element_type3A_123 = arith.extf %squeeze3A_122 : vector<16xbf16> to vector<16xf32>
    %add3A_124 = arith.addf %squeeze3A_118, %convert_element_type3A_123 : vector<16xf32>
    %slice3A_125 = vector.extract_strided_slice %dot_general3A_52 {offsets = [127, 0], sizes = [1, 16], strides = [1, 1]} : vector<128x16xf32> to vector<1x16xf32>
    %squeeze3A_126 = vector.shape_cast %slice3A_125 : vector<1x16xf32> to vector<16xf32>
    %slice3A_127 = vector.extract_strided_slice %reshape3A {offsets = [3, 0, 0], sizes = [1, 128, 16], strides = [1, 1, 1]} : vector<16x128x16xbf16> to vector<1x128x16xbf16>
    %squeeze3A_128 = vector.shape_cast %slice3A_127 : vector<1x128x16xbf16> to vector<128x16xbf16>
    %slice3A_129 = vector.extract_strided_slice %squeeze3A_128 {offsets = [127, 0], sizes = [1, 16], strides = [1, 1]} : vector<128x16xbf16> to vector<1x16xbf16>
    %squeeze3A_130 = vector.shape_cast %slice3A_129 : vector<1x16xbf16> to vector<16xbf16>
    %convert_element_type3A_131 = arith.extf %squeeze3A_130 : vector<16xbf16> to vector<16xf32>
    %add3A_132 = arith.addf %squeeze3A_126, %convert_element_type3A_131 : vector<16xf32>
    %slice3A_133 = vector.extract_strided_slice %dot_general3A_56 {offsets = [127, 0], sizes = [1, 16], strides = [1, 1]} : vector<128x16xf32> to vector<1x16xf32>
    %squeeze3A_134 = vector.shape_cast %slice3A_133 : vector<1x16xf32> to vector<16xf32>
    %slice3A_135 = vector.extract_strided_slice %reshape3A {offsets = [4, 0, 0], sizes = [1, 128, 16], strides = [1, 1, 1]} : vector<16x128x16xbf16> to vector<1x128x16xbf16>
    %squeeze3A_136 = vector.shape_cast %slice3A_135 : vector<1x128x16xbf16> to vector<128x16xbf16>
    %slice3A_137 = vector.extract_strided_slice %squeeze3A_136 {offsets = [127, 0], sizes = [1, 16], strides = [1, 1]} : vector<128x16xbf16> to vector<1x16xbf16>
    %squeeze3A_138 = vector.shape_cast %slice3A_137 : vector<1x16xbf16> to vector<16xbf16>
    %convert_element_type3A_139 = arith.extf %squeeze3A_138 : vector<16xbf16> to vector<16xf32>
    %add3A_140 = arith.addf %squeeze3A_134, %convert_element_type3A_139 : vector<16xf32>
    %slice3A_141 = vector.extract_strided_slice %dot_general3A_60 {offsets = [127, 0], sizes = [1, 16], strides = [1, 1]} : vector<128x16xf32> to vector<1x16xf32>
    %squeeze3A_142 = vector.shape_cast %slice3A_141 : vector<1x16xf32> to vector<16xf32>
    %slice3A_143 = vector.extract_strided_slice %reshape3A {offsets = [5, 0, 0], sizes = [1, 128, 16], strides = [1, 1, 1]} : vector<16x128x16xbf16> to vector<1x128x16xbf16>
    %squeeze3A_144 = vector.shape_cast %slice3A_143 : vector<1x128x16xbf16> to vector<128x16xbf16>
    %slice3A_145 = vector.extract_strided_slice %squeeze3A_144 {offsets = [127, 0], sizes = [1, 16], strides = [1, 1]} : vector<128x16xbf16> to vector<1x16xbf16>
    %squeeze3A_146 = vector.shape_cast %slice3A_145 : vector<1x16xbf16> to vector<16xbf16>
    %convert_element_type3A_147 = arith.extf %squeeze3A_146 : vector<16xbf16> to vector<16xf32>
    %add3A_148 = arith.addf %squeeze3A_142, %convert_element_type3A_147 : vector<16xf32>
    %slice3A_149 = vector.extract_strided_slice %dot_general3A_64 {offsets = [127, 0], sizes = [1, 16], strides = [1, 1]} : vector<128x16xf32> to vector<1x16xf32>
    %squeeze3A_150 = vector.shape_cast %slice3A_149 : vector<1x16xf32> to vector<16xf32>
    %slice3A_151 = vector.extract_strided_slice %reshape3A {offsets = [6, 0, 0], sizes = [1, 128, 16], strides = [1, 1, 1]} : vector<16x128x16xbf16> to vector<1x128x16xbf16>
    %squeeze3A_152 = vector.shape_cast %slice3A_151 : vector<1x128x16xbf16> to vector<128x16xbf16>
    %slice3A_153 = vector.extract_strided_slice %squeeze3A_152 {offsets = [127, 0], sizes = [1, 16], strides = [1, 1]} : vector<128x16xbf16> to vector<1x16xbf16>
    %squeeze3A_154 = vector.shape_cast %slice3A_153 : vector<1x16xbf16> to vector<16xbf16>
    %convert_element_type3A_155 = arith.extf %squeeze3A_154 : vector<16xbf16> to vector<16xf32>
    %add3A_156 = arith.addf %squeeze3A_150, %convert_element_type3A_155 : vector<16xf32>
    %slice3A_157 = vector.extract_strided_slice %dot_general3A_68 {offsets = [127, 0], sizes = [1, 16], strides = [1, 1]} : vector<128x16xf32> to vector<1x16xf32>
    %squeeze3A_158 = vector.shape_cast %slice3A_157 : vector<1x16xf32> to vector<16xf32>
    %slice3A_159 = vector.extract_strided_slice %reshape3A {offsets = [7, 0, 0], sizes = [1, 128, 16], strides = [1, 1, 1]} : vector<16x128x16xbf16> to vector<1x128x16xbf16>
    %squeeze3A_160 = vector.shape_cast %slice3A_159 : vector<1x128x16xbf16> to vector<128x16xbf16>
    %slice3A_161 = vector.extract_strided_slice %squeeze3A_160 {offsets = [127, 0], sizes = [1, 16], strides = [1, 1]} : vector<128x16xbf16> to vector<1x16xbf16>
    %squeeze3A_162 = vector.shape_cast %slice3A_161 : vector<1x16xbf16> to vector<16xbf16>
    %convert_element_type3A_163 = arith.extf %squeeze3A_162 : vector<16xbf16> to vector<16xf32>
    %add3A_164 = arith.addf %squeeze3A_158, %convert_element_type3A_163 : vector<16xf32>
    %slice3A_165 = vector.extract_strided_slice %dot_general3A_72 {offsets = [127, 0], sizes = [1, 16], strides = [1, 1]} : vector<128x16xf32> to vector<1x16xf32>
    %squeeze3A_166 = vector.shape_cast %slice3A_165 : vector<1x16xf32> to vector<16xf32>
    %slice3A_167 = vector.extract_strided_slice %reshape3A {offsets = [8, 0, 0], sizes = [1, 128, 16], strides = [1, 1, 1]} : vector<16x128x16xbf16> to vector<1x128x16xbf16>
    %squeeze3A_168 = vector.shape_cast %slice3A_167 : vector<1x128x16xbf16> to vector<128x16xbf16>
    %slice3A_169 = vector.extract_strided_slice %squeeze3A_168 {offsets = [127, 0], sizes = [1, 16], strides = [1, 1]} : vector<128x16xbf16> to vector<1x16xbf16>
    %squeeze3A_170 = vector.shape_cast %slice3A_169 : vector<1x16xbf16> to vector<16xbf16>
    %convert_element_type3A_171 = arith.extf %squeeze3A_170 : vector<16xbf16> to vector<16xf32>
    %add3A_172 = arith.addf %squeeze3A_166, %convert_element_type3A_171 : vector<16xf32>
    %slice3A_173 = vector.extract_strided_slice %dot_general3A_76 {offsets = [127, 0], sizes = [1, 16], strides = [1, 1]} : vector<128x16xf32> to vector<1x16xf32>
    %squeeze3A_174 = vector.shape_cast %slice3A_173 : vector<1x16xf32> to vector<16xf32>
    %slice3A_175 = vector.extract_strided_slice %reshape3A {offsets = [9, 0, 0], sizes = [1, 128, 16], strides = [1, 1, 1]} : vector<16x128x16xbf16> to vector<1x128x16xbf16>
    %squeeze3A_176 = vector.shape_cast %slice3A_175 : vector<1x128x16xbf16> to vector<128x16xbf16>
    %slice3A_177 = vector.extract_strided_slice %squeeze3A_176 {offsets = [127, 0], sizes = [1, 16], strides = [1, 1]} : vector<128x16xbf16> to vector<1x16xbf16>
    %squeeze3A_178 = vector.shape_cast %slice3A_177 : vector<1x16xbf16> to vector<16xbf16>
    %convert_element_type3A_179 = arith.extf %squeeze3A_178 : vector<16xbf16> to vector<16xf32>
    %add3A_180 = arith.addf %squeeze3A_174, %convert_element_type3A_179 : vector<16xf32>
    %slice3A_181 = vector.extract_strided_slice %dot_general3A_80 {offsets = [127, 0], sizes = [1, 16], strides = [1, 1]} : vector<128x16xf32> to vector<1x16xf32>
    %squeeze3A_182 = vector.shape_cast %slice3A_181 : vector<1x16xf32> to vector<16xf32>
    %slice3A_183 = vector.extract_strided_slice %reshape3A {offsets = [10, 0, 0], sizes = [1, 128, 16], strides = [1, 1, 1]} : vector<16x128x16xbf16> to vector<1x128x16xbf16>
    %squeeze3A_184 = vector.shape_cast %slice3A_183 : vector<1x128x16xbf16> to vector<128x16xbf16>
    %slice3A_185 = vector.extract_strided_slice %squeeze3A_184 {offsets = [127, 0], sizes = [1, 16], strides = [1, 1]} : vector<128x16xbf16> to vector<1x16xbf16>
    %squeeze3A_186 = vector.shape_cast %slice3A_185 : vector<1x16xbf16> to vector<16xbf16>
    %convert_element_type3A_187 = arith.extf %squeeze3A_186 : vector<16xbf16> to vector<16xf32>
    %add3A_188 = arith.addf %squeeze3A_182, %convert_element_type3A_187 : vector<16xf32>
    %slice3A_189 = vector.extract_strided_slice %dot_general3A_84 {offsets = [127, 0], sizes = [1, 16], strides = [1, 1]} : vector<128x16xf32> to vector<1x16xf32>
    %squeeze3A_190 = vector.shape_cast %slice3A_189 : vector<1x16xf32> to vector<16xf32>
    %slice3A_191 = vector.extract_strided_slice %reshape3A {offsets = [11, 0, 0], sizes = [1, 128, 16], strides = [1, 1, 1]} : vector<16x128x16xbf16> to vector<1x128x16xbf16>
    %squeeze3A_192 = vector.shape_cast %slice3A_191 : vector<1x128x16xbf16> to vector<128x16xbf16>
    %slice3A_193 = vector.extract_strided_slice %squeeze3A_192 {offsets = [127, 0], sizes = [1, 16], strides = [1, 1]} : vector<128x16xbf16> to vector<1x16xbf16>
    %squeeze3A_194 = vector.shape_cast %slice3A_193 : vector<1x16xbf16> to vector<16xbf16>
    %convert_element_type3A_195 = arith.extf %squeeze3A_194 : vector<16xbf16> to vector<16xf32>
    %add3A_196 = arith.addf %squeeze3A_190, %convert_element_type3A_195 : vector<16xf32>
    %slice3A_197 = vector.extract_strided_slice %dot_general3A_88 {offsets = [127, 0], sizes = [1, 16], strides = [1, 1]} : vector<128x16xf32> to vector<1x16xf32>
    %squeeze3A_198 = vector.shape_cast %slice3A_197 : vector<1x16xf32> to vector<16xf32>
    %slice3A_199 = vector.extract_strided_slice %reshape3A {offsets = [12, 0, 0], sizes = [1, 128, 16], strides = [1, 1, 1]} : vector<16x128x16xbf16> to vector<1x128x16xbf16>
    %squeeze3A_200 = vector.shape_cast %slice3A_199 : vector<1x128x16xbf16> to vector<128x16xbf16>
    %slice3A_201 = vector.extract_strided_slice %squeeze3A_200 {offsets = [127, 0], sizes = [1, 16], strides = [1, 1]} : vector<128x16xbf16> to vector<1x16xbf16>
    %squeeze3A_202 = vector.shape_cast %slice3A_201 : vector<1x16xbf16> to vector<16xbf16>
    %convert_element_type3A_203 = arith.extf %squeeze3A_202 : vector<16xbf16> to vector<16xf32>
    %add3A_204 = arith.addf %squeeze3A_198, %convert_element_type3A_203 : vector<16xf32>
    %slice3A_205 = vector.extract_strided_slice %dot_general3A_92 {offsets = [127, 0], sizes = [1, 16], strides = [1, 1]} : vector<128x16xf32> to vector<1x16xf32>
    %squeeze3A_206 = vector.shape_cast %slice3A_205 : vector<1x16xf32> to vector<16xf32>
    %slice3A_207 = vector.extract_strided_slice %reshape3A {offsets = [13, 0, 0], sizes = [1, 128, 16], strides = [1, 1, 1]} : vector<16x128x16xbf16> to vector<1x128x16xbf16>
    %squeeze3A_208 = vector.shape_cast %slice3A_207 : vector<1x128x16xbf16> to vector<128x16xbf16>
    %slice3A_209 = vector.extract_strided_slice %squeeze3A_208 {offsets = [127, 0], sizes = [1, 16], strides = [1, 1]} : vector<128x16xbf16> to vector<1x16xbf16>
    %squeeze3A_210 = vector.shape_cast %slice3A_209 : vector<1x16xbf16> to vector<16xbf16>
    %convert_element_type3A_211 = arith.extf %squeeze3A_210 : vector<16xbf16> to vector<16xf32>
    %add3A_212 = arith.addf %squeeze3A_206, %convert_element_type3A_211 : vector<16xf32>
    %slice3A_213 = vector.extract_strided_slice %dot_general3A_96 {offsets = [127, 0], sizes = [1, 16], strides = [1, 1]} : vector<128x16xf32> to vector<1x16xf32>
    %squeeze3A_214 = vector.shape_cast %slice3A_213 : vector<1x16xf32> to vector<16xf32>
    %slice3A_215 = vector.extract_strided_slice %reshape3A {offsets = [14, 0, 0], sizes = [1, 128, 16], strides = [1, 1, 1]} : vector<16x128x16xbf16> to vector<1x128x16xbf16>
    %squeeze3A_216 = vector.shape_cast %slice3A_215 : vector<1x128x16xbf16> to vector<128x16xbf16>
    %slice3A_217 = vector.extract_strided_slice %squeeze3A_216 {offsets = [127, 0], sizes = [1, 16], strides = [1, 1]} : vector<128x16xbf16> to vector<1x16xbf16>
    %squeeze3A_218 = vector.shape_cast %slice3A_217 : vector<1x16xbf16> to vector<16xbf16>
    %convert_element_type3A_219 = arith.extf %squeeze3A_218 : vector<16xbf16> to vector<16xf32>
    %add3A_220 = arith.addf %squeeze3A_214, %convert_element_type3A_219 : vector<16xf32>
    %slice3A_221 = vector.extract_strided_slice %dot_general3A_100 {offsets = [127, 0], sizes = [1, 16], strides = [1, 1]} : vector<128x16xf32> to vector<1x16xf32>
    %squeeze3A_222 = vector.shape_cast %slice3A_221 : vector<1x16xf32> to vector<16xf32>
    %slice3A_223 = vector.extract_strided_slice %reshape3A {offsets = [15, 0, 0], sizes = [1, 128, 16], strides = [1, 1, 1]} : vector<16x128x16xbf16> to vector<1x128x16xbf16>
    %squeeze3A_224 = vector.shape_cast %slice3A_223 : vector<1x128x16xbf16> to vector<128x16xbf16>
    %slice3A_225 = vector.extract_strided_slice %squeeze3A_224 {offsets = [127, 0], sizes = [1, 16], strides = [1, 1]} : vector<128x16xbf16> to vector<1x16xbf16>
    %squeeze3A_226 = vector.shape_cast %slice3A_225 : vector<1x16xbf16> to vector<16xbf16>
    %convert_element_type3A_227 = arith.extf %squeeze3A_226 : vector<16xbf16> to vector<16xf32>
    %add3A_228 = arith.addf %squeeze3A_222, %convert_element_type3A_227 : vector<16xf32>
    %stack3A = vector.shape_cast %add3A_108 : vector<16xf32> to vector<1x16xf32>
    %stack3A_229 = vector.shape_cast %add3A_116 : vector<16xf32> to vector<1x16xf32>
    %stack3A_230 = vector.shape_cast %add3A_124 : vector<16xf32> to vector<1x16xf32>
    %stack3A_231 = vector.shape_cast %add3A_132 : vector<16xf32> to vector<1x16xf32>
    %stack3A_232 = vector.shape_cast %add3A_140 : vector<16xf32> to vector<1x16xf32>
    %stack3A_233 = vector.shape_cast %add3A_148 : vector<16xf32> to vector<1x16xf32>
    %stack3A_234 = vector.shape_cast %add3A_156 : vector<16xf32> to vector<1x16xf32>
    %stack3A_235 = vector.shape_cast %add3A_164 : vector<16xf32> to vector<1x16xf32>
    %stack3A_236 = vector.shape_cast %add3A_172 : vector<16xf32> to vector<1x16xf32>
    %stack3A_237 = vector.shape_cast %add3A_180 : vector<16xf32> to vector<1x16xf32>
    %stack3A_238 = vector.shape_cast %add3A_188 : vector<16xf32> to vector<1x16xf32>
    %stack3A_239 = vector.shape_cast %add3A_196 : vector<16xf32> to vector<1x16xf32>
    %stack3A_240 = vector.shape_cast %add3A_204 : vector<16xf32> to vector<1x16xf32>
    %stack3A_241 = vector.shape_cast %add3A_212 : vector<16xf32> to vector<1x16xf32>
    %stack3A_242 = vector.shape_cast %add3A_220 : vector<16xf32> to vector<1x16xf32>
    %stack3A_243 = vector.shape_cast %add3A_228 : vector<16xf32> to vector<1x16xf32>
    %stack3A_244 = tpu.concatenate %stack3A, %stack3A_229, %stack3A_230, %stack3A_231, %stack3A_232, %stack3A_233, %stack3A_234, %stack3A_235, %stack3A_236, %stack3A_237, %stack3A_238, %stack3A_239, %stack3A_240, %stack3A_241, %stack3A_242, %stack3A_243 in 0 : vector<1x16xf32>, vector<1x16xf32>, vector<1x16xf32>, vector<1x16xf32>, vector<1x16xf32>, vector<1x16xf32>, vector<1x16xf32>, vector<1x16xf32>, vector<1x16xf32>, vector<1x16xf32>, vector<1x16xf32>, vector<1x16xf32>, vector<1x16xf32>, vector<1x16xf32>, vector<1x16xf32>, vector<1x16xf32> -> vector<16x16xf32>
    %iota3A_245 = tpu.iota {dimensions = array<i32: 0>} : vector<16x16xi32>
    %iota3A_246 = tpu.iota {dimensions = array<i32: 1>} : vector<16x16xi32>
    %lt3A_247 = arith.cmpi slt, %iota3A_246, %iota3A_245 : vector<16x16xi32>
    %convert_element_type3A_248 = arith.extui %lt3A_247 : vector<16x16xi1> to vector<16x16xi32>
    %convert_element_type3A_249 = arith.sitofp %convert_element_type3A_248 : vector<16x16xi32> to vector<16x16xf32>
    %dot_general3A_250 = arith.constant dense<0.000000e+00> : vector<16x16xf32>
    %dot_general3A_251 = tpu.matmul %convert_element_type3A_249, %stack3A_244, %dot_general3A_250 {dimension_numbers = #tpu.dot_dimension_numbers<[1], [0], [0], [1], [0, 0, 1, 1], [], []>, transpose_lhs_hint = false} : vector<16x16xf32>, vector<16x16xf32>, vector<16x16xf32> -> vector<16x16xf32>
    %slice3A_252 = vector.extract_strided_slice %dot_general3A_251 {offsets = [0, 0], sizes = [1, 16], strides = [1, 1]} : vector<16x16xf32> to vector<1x16xf32>
    %squeeze3A_253 = vector.shape_cast %slice3A_252 : vector<1x16xf32> to vector<16xf32>
    %broadcast_in_dim3A_254 = vector.shape_cast %squeeze3A_253 : vector<16xf32> to vector<1x16xf32>
    %add3A_255 = vector.broadcast %broadcast_in_dim3A_254 : vector<1x16xf32> to vector<128x16xf32>
    %add3A_256 = arith.addf %dot_general3A_40, %add3A_255 : vector<128x16xf32>
    %slice3A_257 = vector.extract_strided_slice %dot_general3A_251 {offsets = [1, 0], sizes = [1, 16], strides = [1, 1]} : vector<16x16xf32> to vector<1x16xf32>
    %squeeze3A_258 = vector.shape_cast %slice3A_257 : vector<1x16xf32> to vector<16xf32>
    %broadcast_in_dim3A_259 = vector.shape_cast %squeeze3A_258 : vector<16xf32> to vector<1x16xf32>
    %add3A_260 = vector.broadcast %broadcast_in_dim3A_259 : vector<1x16xf32> to vector<128x16xf32>
    %add3A_261 = arith.addf %dot_general3A_44, %add3A_260 : vector<128x16xf32>
    %slice3A_262 = vector.extract_strided_slice %dot_general3A_251 {offsets = [2, 0], sizes = [1, 16], strides = [1, 1]} : vector<16x16xf32> to vector<1x16xf32>
    %squeeze3A_263 = vector.shape_cast %slice3A_262 : vector<1x16xf32> to vector<16xf32>
    %broadcast_in_dim3A_264 = vector.shape_cast %squeeze3A_263 : vector<16xf32> to vector<1x16xf32>
    %add3A_265 = vector.broadcast %broadcast_in_dim3A_264 : vector<1x16xf32> to vector<128x16xf32>
    %add3A_266 = arith.addf %dot_general3A_48, %add3A_265 : vector<128x16xf32>
    %slice3A_267 = vector.extract_strided_slice %dot_general3A_251 {offsets = [3, 0], sizes = [1, 16], strides = [1, 1]} : vector<16x16xf32> to vector<1x16xf32>
    %squeeze3A_268 = vector.shape_cast %slice3A_267 : vector<1x16xf32> to vector<16xf32>
    %broadcast_in_dim3A_269 = vector.shape_cast %squeeze3A_268 : vector<16xf32> to vector<1x16xf32>
    %add3A_270 = vector.broadcast %broadcast_in_dim3A_269 : vector<1x16xf32> to vector<128x16xf32>
    %add3A_271 = arith.addf %dot_general3A_52, %add3A_270 : vector<128x16xf32>
    %slice3A_272 = vector.extract_strided_slice %dot_general3A_251 {offsets = [4, 0], sizes = [1, 16], strides = [1, 1]} : vector<16x16xf32> to vector<1x16xf32>
    %squeeze3A_273 = vector.shape_cast %slice3A_272 : vector<1x16xf32> to vector<16xf32>
    %broadcast_in_dim3A_274 = vector.shape_cast %squeeze3A_273 : vector<16xf32> to vector<1x16xf32>
    %add3A_275 = vector.broadcast %broadcast_in_dim3A_274 : vector<1x16xf32> to vector<128x16xf32>
    %add3A_276 = arith.addf %dot_general3A_56, %add3A_275 : vector<128x16xf32>
    %slice3A_277 = vector.extract_strided_slice %dot_general3A_251 {offsets = [5, 0], sizes = [1, 16], strides = [1, 1]} : vector<16x16xf32> to vector<1x16xf32>
    %squeeze3A_278 = vector.shape_cast %slice3A_277 : vector<1x16xf32> to vector<16xf32>
    %broadcast_in_dim3A_279 = vector.shape_cast %squeeze3A_278 : vector<16xf32> to vector<1x16xf32>
    %add3A_280 = vector.broadcast %broadcast_in_dim3A_279 : vector<1x16xf32> to vector<128x16xf32>
    %add3A_281 = arith.addf %dot_general3A_60, %add3A_280 : vector<128x16xf32>
    %slice3A_282 = vector.extract_strided_slice %dot_general3A_251 {offsets = [6, 0], sizes = [1, 16], strides = [1, 1]} : vector<16x16xf32> to vector<1x16xf32>
    %squeeze3A_283 = vector.shape_cast %slice3A_282 : vector<1x16xf32> to vector<16xf32>
    %broadcast_in_dim3A_284 = vector.shape_cast %squeeze3A_283 : vector<16xf32> to vector<1x16xf32>
    %add3A_285 = vector.broadcast %broadcast_in_dim3A_284 : vector<1x16xf32> to vector<128x16xf32>
    %add3A_286 = arith.addf %dot_general3A_64, %add3A_285 : vector<128x16xf32>
    %slice3A_287 = vector.extract_strided_slice %dot_general3A_251 {offsets = [7, 0], sizes = [1, 16], strides = [1, 1]} : vector<16x16xf32> to vector<1x16xf32>
    %squeeze3A_288 = vector.shape_cast %slice3A_287 : vector<1x16xf32> to vector<16xf32>
    %broadcast_in_dim3A_289 = vector.shape_cast %squeeze3A_288 : vector<16xf32> to vector<1x16xf32>
    %add3A_290 = vector.broadcast %broadcast_in_dim3A_289 : vector<1x16xf32> to vector<128x16xf32>
    %add3A_291 = arith.addf %dot_general3A_68, %add3A_290 : vector<128x16xf32>
    %slice3A_292 = vector.extract_strided_slice %dot_general3A_251 {offsets = [8, 0], sizes = [1, 16], strides = [1, 1]} : vector<16x16xf32> to vector<1x16xf32>
    %squeeze3A_293 = vector.shape_cast %slice3A_292 : vector<1x16xf32> to vector<16xf32>
    %broadcast_in_dim3A_294 = vector.shape_cast %squeeze3A_293 : vector<16xf32> to vector<1x16xf32>
    %add3A_295 = vector.broadcast %broadcast_in_dim3A_294 : vector<1x16xf32> to vector<128x16xf32>
    %add3A_296 = arith.addf %dot_general3A_72, %add3A_295 : vector<128x16xf32>
    %slice3A_297 = vector.extract_strided_slice %dot_general3A_251 {offsets = [9, 0], sizes = [1, 16], strides = [1, 1]} : vector<16x16xf32> to vector<1x16xf32>
    %squeeze3A_298 = vector.shape_cast %slice3A_297 : vector<1x16xf32> to vector<16xf32>
    %broadcast_in_dim3A_299 = vector.shape_cast %squeeze3A_298 : vector<16xf32> to vector<1x16xf32>
    %add3A_300 = vector.broadcast %broadcast_in_dim3A_299 : vector<1x16xf32> to vector<128x16xf32>
    %add3A_301 = arith.addf %dot_general3A_76, %add3A_300 : vector<128x16xf32>
    %slice3A_302 = vector.extract_strided_slice %dot_general3A_251 {offsets = [10, 0], sizes = [1, 16], strides = [1, 1]} : vector<16x16xf32> to vector<1x16xf32>
    %squeeze3A_303 = vector.shape_cast %slice3A_302 : vector<1x16xf32> to vector<16xf32>
    %broadcast_in_dim3A_304 = vector.shape_cast %squeeze3A_303 : vector<16xf32> to vector<1x16xf32>
    %add3A_305 = vector.broadcast %broadcast_in_dim3A_304 : vector<1x16xf32> to vector<128x16xf32>
    %add3A_306 = arith.addf %dot_general3A_80, %add3A_305 : vector<128x16xf32>
    %slice3A_307 = vector.extract_strided_slice %dot_general3A_251 {offsets = [11, 0], sizes = [1, 16], strides = [1, 1]} : vector<16x16xf32> to vector<1x16xf32>
    %squeeze3A_308 = vector.shape_cast %slice3A_307 : vector<1x16xf32> to vector<16xf32>
    %broadcast_in_dim3A_309 = vector.shape_cast %squeeze3A_308 : vector<16xf32> to vector<1x16xf32>
    %add3A_310 = vector.broadcast %broadcast_in_dim3A_309 : vector<1x16xf32> to vector<128x16xf32>
    %add3A_311 = arith.addf %dot_general3A_84, %add3A_310 : vector<128x16xf32>
    %slice3A_312 = vector.extract_strided_slice %dot_general3A_251 {offsets = [12, 0], sizes = [1, 16], strides = [1, 1]} : vector<16x16xf32> to vector<1x16xf32>
    %squeeze3A_313 = vector.shape_cast %slice3A_312 : vector<1x16xf32> to vector<16xf32>
    %broadcast_in_dim3A_314 = vector.shape_cast %squeeze3A_313 : vector<16xf32> to vector<1x16xf32>
    %add3A_315 = vector.broadcast %broadcast_in_dim3A_314 : vector<1x16xf32> to vector<128x16xf32>
    %add3A_316 = arith.addf %dot_general3A_88, %add3A_315 : vector<128x16xf32>
    %slice3A_317 = vector.extract_strided_slice %dot_general3A_251 {offsets = [13, 0], sizes = [1, 16], strides = [1, 1]} : vector<16x16xf32> to vector<1x16xf32>
    %squeeze3A_318 = vector.shape_cast %slice3A_317 : vector<1x16xf32> to vector<16xf32>
    %broadcast_in_dim3A_319 = vector.shape_cast %squeeze3A_318 : vector<16xf32> to vector<1x16xf32>
    %add3A_320 = vector.broadcast %broadcast_in_dim3A_319 : vector<1x16xf32> to vector<128x16xf32>
    %add3A_321 = arith.addf %dot_general3A_92, %add3A_320 : vector<128x16xf32>
    %slice3A_322 = vector.extract_strided_slice %dot_general3A_251 {offsets = [14, 0], sizes = [1, 16], strides = [1, 1]} : vector<16x16xf32> to vector<1x16xf32>
    %squeeze3A_323 = vector.shape_cast %slice3A_322 : vector<1x16xf32> to vector<16xf32>
    %broadcast_in_dim3A_324 = vector.shape_cast %squeeze3A_323 : vector<16xf32> to vector<1x16xf32>
    %add3A_325 = vector.broadcast %broadcast_in_dim3A_324 : vector<1x16xf32> to vector<128x16xf32>
    %add3A_326 = arith.addf %dot_general3A_96, %add3A_325 : vector<128x16xf32>
    %slice3A_327 = vector.extract_strided_slice %dot_general3A_251 {offsets = [15, 0], sizes = [1, 16], strides = [1, 1]} : vector<16x16xf32> to vector<1x16xf32>
    %squeeze3A_328 = vector.shape_cast %slice3A_327 : vector<1x16xf32> to vector<16xf32>
    %broadcast_in_dim3A_329 = vector.shape_cast %squeeze3A_328 : vector<16xf32> to vector<1x16xf32>
    %add3A_330 = vector.broadcast %broadcast_in_dim3A_329 : vector<1x16xf32> to vector<128x16xf32>
    %add3A_331 = arith.addf %dot_general3A_100, %add3A_330 : vector<128x16xf32>
    %concatenate3A_332 = tpu.concatenate %add3A_256, %add3A_261, %add3A_266, %add3A_271, %add3A_276, %add3A_281, %add3A_286, %add3A_291, %add3A_296, %add3A_301, %add3A_306, %add3A_311, %add3A_316, %add3A_321, %add3A_326, %add3A_331 in 0 : vector<128x16xf32>, vector<128x16xf32>, vector<128x16xf32>, vector<128x16xf32>, vector<128x16xf32>, vector<128x16xf32>, vector<128x16xf32>, vector<128x16xf32>, vector<128x16xf32>, vector<128x16xf32>, vector<128x16xf32>, vector<128x16xf32>, vector<128x16xf32>, vector<128x16xf32>, vector<128x16xf32>, vector<128x16xf32> -> vector<2048x16xf32>
    %slice3A_333 = vector.extract_strided_slice %concatenate3A_332 {offsets = [0, 0], sizes = [2048, 8], strides = [1, 1]} : vector<2048x16xf32> to vector<2048x8xf32>
    %slice3A_334 = vector.extract_strided_slice %concatenate3A_332 {offsets = [0, 8], sizes = [2048, 8], strides = [1, 1]} : vector<2048x16xf32> to vector<2048x8xf32>
    %reduce_sum3A_335 = arith.constant dense<0.000000e+00> : vector<16xf32>
    %reduce_sum3A_336 = vector.multi_reduction <add>, %stack3A_244, %reduce_sum3A_335 [0] : vector<16x16xf32> to vector<16xf32>
    %slice3A_337 = vector.extract_strided_slice %reduce_sum3A_336 {offsets = [0], sizes = [8], strides = [1]} : vector<16xf32> to vector<8xf32>
    %slice3A_338 = vector.extract_strided_slice %reduce_sum3A_336 {offsets = [8], sizes = [8], strides = [1]} : vector<16xf32> to vector<8xf32>
    %add3A_339 = arith.addf %slice3A_337, %slice3A_338 : vector<8xf32>
    %div3A_340 = arith.constant 1.280000e+02 : f32
    %div3A_341 = vector.broadcast %div3A_340 : f32 to vector<8xf32>
    %div3A_342 = arith.divf %add3A_339, %div3A_341 : vector<8xf32>
    %ceil3A = math.ceil %div3A_342 : vector<8xf32>
    %iota3A_343 = tpu.iota {dimensions = array<i32: 0>} : vector<8x8xi32>
    %iota3A_344 = tpu.iota {dimensions = array<i32: 1>} : vector<8x8xi32>
    %lt3A_345 = arith.cmpi slt, %iota3A_344, %iota3A_343 : vector<8x8xi32>
    %convert_element_type3A_346 = arith.extui %lt3A_345 : vector<8x8xi1> to vector<8x8xi32>
    %convert_element_type3A_347 = arith.sitofp %convert_element_type3A_346 : vector<8x8xi32> to vector<8x8xf32>
    %broadcast_in_dim3A_348 = vector.shape_cast %ceil3A : vector<8xf32> to vector<8x1xf32>
    %dot_general3A_349 = arith.constant dense<0.000000e+00> : vector<8x1xf32>
    %dot_general3A_350 = tpu.matmul %convert_element_type3A_347, %broadcast_in_dim3A_348, %dot_general3A_349 {dimension_numbers = #tpu.dot_dimension_numbers<[1], [0], [0], [1], [0, 0, 1, 1], [], []>, transpose_lhs_hint = false} : vector<8x8xf32>, vector<8x1xf32>, vector<8x1xf32> -> vector<8x1xf32>
    %squeeze3A_351 = vector.shape_cast %dot_general3A_350 : vector<8x1xf32> to vector<8xf32>
    %mul3A = arith.constant 1.280000e+02 : f32
    %mul3A_352 = vector.broadcast %mul3A : f32 to vector<8xf32>
    %mul3A_353 = arith.mulf %squeeze3A_351, %mul3A_352 : vector<8xf32>
    %convert_element_type3A_354 = arith.extf %convert_element_type3A_27 : vector<2048x8xbf16> to vector<2048x8xf32>
    %convert_element_type3A_355 = arith.extf %convert_element_type3A_33 : vector<2048x8xbf16> to vector<2048x8xf32>
    %broadcast_in_dim3A_356 = vector.shape_cast %mul3A_353 : vector<8xf32> to vector<1x8xf32>
    %add3A_357 = vector.broadcast %broadcast_in_dim3A_356 : vector<1x8xf32> to vector<2048x8xf32>
    %add3A_358 = arith.addf %add3A_357, %slice3A_333 : vector<2048x8xf32>
    %mul3A_359 = arith.mulf %convert_element_type3A_354, %add3A_358 : vector<2048x8xf32>
    %reduce_sum3A_360 = arith.constant dense<0.000000e+00> : vector<2048xf32>
    %reduce_sum3A_361 = vector.multi_reduction <add>, %mul3A_359, %reduce_sum3A_360 [1] : vector<2048x8xf32> to vector<2048xf32>
    %broadcast_in_dim3A_362 = vector.shape_cast %mul3A_353 : vector<8xf32> to vector<1x8xf32>
    %broadcast_in_dim3A_363 = vector.shape_cast %slice3A_337 : vector<8xf32> to vector<1x8xf32>
    %add3A_364 = arith.addf %broadcast_in_dim3A_362, %broadcast_in_dim3A_363 : vector<1x8xf32>
    %add3A_365 = vector.broadcast %add3A_364 : vector<1x8xf32> to vector<2048x8xf32>
    %add3A_366 = arith.addf %add3A_365, %slice3A_334 : vector<2048x8xf32>
    %mul3A_367 = arith.mulf %convert_element_type3A_355, %add3A_366 : vector<2048x8xf32>
    %reduce_sum3A_368 = arith.constant dense<0.000000e+00> : vector<2048xf32>
    %reduce_sum3A_369 = vector.multi_reduction <add>, %mul3A_367, %reduce_sum3A_368 [1] : vector<2048x8xf32> to vector<2048xf32>
    %convert_element_type3A_370 = arith.fptosi %reduce_sum3A_361 : vector<2048xf32> to vector<2048xi32>
    %swap3A = arith.constant 0 : index
    %swap3A_371 = vector.load %arg2[%swap3A] : memref<2048xi32, #tpu.memory_space<vmem>>, vector<2048xi32>
    tpu.vector_store %arg2[%swap3A], %convert_element_type3A_370 {strides = array<i32>} : memref<2048xi32, #tpu.memory_space<vmem>>, vector<2048xi32>,
    %convert_element_type3A_372 = arith.fptosi %reduce_sum3A_369 : vector<2048xf32> to vector<2048xi32>
    %swap3A_373 = arith.constant 0 : index
    %swap3A_374 = vector.load %arg3[%swap3A_373] : memref<2048xi32, #tpu.memory_space<vmem>>, vector<2048xi32>
    tpu.vector_store %arg3[%swap3A_373], %convert_element_type3A_372 {strides = array<i32>} : memref<2048xi32, #tpu.memory_space<vmem>>, vector<2048xi32>,
    %broadcast_in_dim3A_375 = vector.shape_cast %div3A_21 : vector<2048xf32> to vector<2048x1xf32>
    %broadcast_in_dim3A_376 = vector.shape_cast %broadcast_in_dim3A_375 : vector<2048x1xf32> to vector<2048x1xf32>
    %broadcast_in_dim3A_377 = vector.broadcast %broadcast_in_dim3A_376 : vector<2048x1xf32> to vector<2048x16xf32>
    %swap3A_378 = arith.constant 0 : index
    %swap3A_379 = arith.constant 0 : index
    %swap3A_380 = vector.load %arg4[%swap3A_378, %swap3A_379] : memref<2048x16xf32, #tpu.memory_space<vmem>>, vector<2048x16xf32>
    tpu.vector_store %arg4[%swap3A_378, %swap3A_379], %broadcast_in_dim3A_377 {strides = array<i32>} : memref<2048x16xf32, #tpu.memory_space<vmem>>, vector<2048x16xf32>,
    %broadcast_in_dim3A_381 = vector.shape_cast %div3A_22 : vector<2048xf32> to vector<2048x1xf32>
    %broadcast_in_dim3A_382 = vector.shape_cast %broadcast_in_dim3A_381 : vector<2048x1xf32> to vector<2048x1xf32>
    %broadcast_in_dim3A_383 = vector.broadcast %broadcast_in_dim3A_382 : vector<2048x1xf32> to vector<2048x16xf32>
    %swap3A_384 = arith.constant 0 : index
    %swap3A_385 = arith.constant 0 : index
    %swap3A_386 = vector.load %arg5[%swap3A_384, %swap3A_385] : memref<2048x16xf32, #tpu.memory_space<vmem>>, vector<2048x16xf32>
    tpu.vector_store %arg5[%swap3A_384, %swap3A_385], %broadcast_in_dim3A_383 {strides = array<i32>} : memref<2048x16xf32, #tpu.memory_space<vmem>>, vector<2048x16xf32>,
    %iota3A_387 = tpu.iota {dimensions = array<i32: 0>} : vector<64x8xi32>
    %convert_element_type3A_388 = arith.fptosi %squeeze3A_351 : vector<8xf32> to vector<8xi32>
    %broadcast_in_dim3A_389 = vector.shape_cast %convert_element_type3A_388 : vector<8xi32> to vector<1x8xi32>
    %le3A = vector.broadcast %broadcast_in_dim3A_389 : vector<1x8xi32> to vector<64x8xi32>
    %le3A_390 = arith.cmpi sle, %le3A, %iota3A_387 : vector<64x8xi32>
    %convert_element_type3A_391 = arith.extui %le3A_390 : vector<64x8xi1> to vector<64x8xi32>
    %reduce_sum3A_392 = arith.constant dense<0> : vector<64xi32>
    %reduce_sum3A_393 = vector.multi_reduction <add>, %convert_element_type3A_391, %reduce_sum3A_392 [1] : vector<64x8xi32> to vector<64xi32>
    %sub3A_394 = arith.constant 1 : i32
    %sub3A_395 = vector.broadcast %sub3A_394 : i32 to vector<64xi32>
    %sub3A_396 = arith.subi %reduce_sum3A_393, %sub3A_395 : vector<64xi32>
    %jit3A_397 = arith.constant 0 : i32
    %jit3A_398 = arith.constant 7 : i32
    %max3A_399 = vector.broadcast %jit3A_397 : i32 to vector<64xi32>
    %max3A_400 = arith.maxsi %max3A_399, %sub3A_396 : vector<64xi32>
    %min3A = vector.broadcast %jit3A_398 : i32 to vector<64xi32>
    %min3A_401 = arith.minsi %min3A, %max3A_400 : vector<64xi32>
    %reduce_sum3A_402 = vector.shape_cast %ceil3A : vector<8xf32> to vector<1x8xf32>
    %reduce_sum3A_403 = arith.constant dense<0.000000e+00> : vector<1xf32>
    %reduce_sum3A_404 = vector.multi_reduction <add>, %reduce_sum3A_402, %reduce_sum3A_403 [1] : vector<1x8xf32> to vector<1xf32>
    %reduce_sum3A_405 = vector.shape_cast %reduce_sum3A_404 : vector<1xf32> to vector<1x1xf32>
    %reduce_sum3A_406 = vector.extract %reduce_sum3A_405[0, 0] : f32 from vector<1x1xf32>
    %convert_element_type3A_407 = arith.fptosi %reduce_sum3A_406 : f32 to i32
    %iota3A_408 = tpu.iota {dimensions = array<i32: 1>} : vector<1x64xi32>
    %iota3A_409 = vector.shape_cast %iota3A_408 : vector<1x64xi32> to vector<64xi32>
    %eq3A_410 = arith.constant 63 : i32
    %eq3A_411 = vector.broadcast %eq3A_410 : i32 to vector<64xi32>
    %eq3A_412 = arith.cmpi eq, %iota3A_409, %eq3A_411 : vector<64xi32>
    %broadcast_in_dim3A_413 = vector.broadcast %convert_element_type3A_407 : i32 to vector<64xi32>
    %select_n3A_414 = arith.select %eq3A_412, %broadcast_in_dim3A_413, %min3A_401 : vector<64xi1>, vector<64xi32>
    %swap3A_415 = arith.constant 0 : index
    %swap3A_416 = vector.load %arg6[%swap3A_415] : memref<64xi32, #tpu.memory_space<vmem>>, vector<64xi32>
    tpu.vector_store %arg6[%swap3A_415], %select_n3A_414 {strides = array<i32>} : memref<64xi32, #tpu.memory_space<vmem>>, vector<64xi32>,
    return
  }
}

module attributes {stable_mosaic.version = 14 : i64} {
  func.func @_ffn_kernel(%arg0: i32, %arg1: memref<64xi32, #tpu.memory_space<smem>>, %arg2: memref<128x1024xf32, #tpu.memory_space<vmem>>, %arg3: memref<1x1024x1024xf32, #tpu.memory_space<vmem>>, %arg4: memref<1x1024x1024xf32, #tpu.memory_space<vmem>>, %arg5: memref<1x1024x1024xf32, #tpu.memory_space<vmem>>, %arg6: memref<128x1024xf32, #tpu.memory_space<vmem>>) attributes {dimension_semantics = [#tpu.dimension_semantics<arbitrary>], iteration_bounds = array<i64: 40>, scalar_prefetch = 1 : i64, scratch_operands = 0 : i64, tpu.core_type = #tpu.core_type<tc>, window_params = [{transform_indices = @transform_0, window_bounds = array<i64: 128, 1024>}, {transform_indices = @transform_1, window_bounds = array<i64: 1, 1024, 1024>}, {transform_indices = @transform_2, window_bounds = array<i64: 1, 1024, 1024>}, {transform_indices = @transform_3, window_bounds = array<i64: 1, 1024, 1024>}, {transform_indices = @transform_4, window_bounds = array<i64: 128, 1024>}]} {
    %get3A = arith.constant 63 : index
    %get3A_0 = memref.load %arg1[%get3A] : memref<64xi32, #tpu.memory_space<smem>>
    %lt3A = arith.cmpi slt, %arg0, %get3A_0 : i32
    %convert_element_type3A = arith.extui %lt3A : i1 to i32
    %cond3A = arith.constant 0 : i32
    %cond3A_1 = arith.cmpi ne, %convert_element_type3A, %cond3A : i32
    scf.if %cond3A_1 {
      %get3A_2 = arith.constant 0 : index
      %get3A_3 = arith.constant 0 : index
      %get3A_4 = vector.load %arg2[%get3A_2, %get3A_3] : memref<128x1024xf32, #tpu.memory_space<vmem>>, vector<128x1024xf32>
      %convert_element_type3A_5 = arith.truncf %get3A_4 : vector<128x1024xf32> to vector<128x1024xbf16>
      %get3A_6 = arith.constant 0 : index
      %get3A_7 = arith.constant 0 : index
      %get3A_8 = arith.constant 0 : index
      %get3A_9 = vector.load %arg3[%get3A_6, %get3A_7, %get3A_8] : memref<1x1024x1024xf32, #tpu.memory_space<vmem>>, vector<1x1024x1024xf32>
      %get3A_10 = vector.shape_cast %get3A_9 : vector<1x1024x1024xf32> to vector<1024x1024xf32>
      %convert_element_type3A_11 = arith.truncf %get3A_10 : vector<1024x1024xf32> to vector<1024x1024xbf16>
      %get3A_12 = arith.constant 0 : index
      %get3A_13 = arith.constant 0 : index
      %get3A_14 = arith.constant 0 : index
      %get3A_15 = vector.load %arg4[%get3A_12, %get3A_13, %get3A_14] : memref<1x1024x1024xf32, #tpu.memory_space<vmem>>, vector<1x1024x1024xf32>
      %get3A_16 = vector.shape_cast %get3A_15 : vector<1x1024x1024xf32> to vector<1024x1024xf32>
      %convert_element_type3A_17 = arith.truncf %get3A_16 : vector<1024x1024xf32> to vector<1024x1024xbf16>
      %get3A_18 = arith.constant 0 : index
      %get3A_19 = arith.constant 0 : index
      %get3A_20 = arith.constant 0 : index
      %get3A_21 = vector.load %arg5[%get3A_18, %get3A_19, %get3A_20] : memref<1x1024x1024xf32, #tpu.memory_space<vmem>>, vector<1x1024x1024xf32>
      %get3A_22 = vector.shape_cast %get3A_21 : vector<1x1024x1024xf32> to vector<1024x1024xf32>
      %convert_element_type3A_23 = arith.truncf %get3A_22 : vector<1024x1024xf32> to vector<1024x1024xbf16>
      %dot_general3A = arith.constant dense<0.000000e+00> : vector<128x1024xf32>
      %dot_general3A_24 = tpu.matmul %convert_element_type3A_5, %convert_element_type3A_11, %dot_general3A {dimension_numbers = #tpu.dot_dimension_numbers<[1], [0], [0], [1], [0, 0, 1, 1], [], []>, transpose_lhs_hint = false} : vector<128x1024xbf16>, vector<1024x1024xbf16>, vector<128x1024xf32> -> vector<128x1024xf32>
      %dot_general3A_25 = arith.constant dense<0.000000e+00> : vector<128x1024xf32>
      %dot_general3A_26 = tpu.matmul %convert_element_type3A_5, %convert_element_type3A_17, %dot_general3A_25 {dimension_numbers = #tpu.dot_dimension_numbers<[1], [0], [0], [1], [0, 0, 1, 1], [], []>, transpose_lhs_hint = false} : vector<128x1024xbf16>, vector<1024x1024xbf16>, vector<128x1024xf32> -> vector<128x1024xf32>
      %logistic3A = arith.negf %dot_general3A_24 : vector<128x1024xf32>
      %logistic3A_27 = math.exp %logistic3A : vector<128x1024xf32>
      %logistic3A_28 = arith.constant 1.000000e+00 : f32
      %logistic3A_29 = vector.broadcast %logistic3A_28 : f32 to vector<128x1024xf32>
      %logistic3A_30 = arith.addf %logistic3A_29, %logistic3A_27 : vector<128x1024xf32>
      %logistic3A_31 = arith.divf %logistic3A_29, %logistic3A_30 : vector<128x1024xf32>
      %mul3A = arith.mulf %dot_general3A_24, %logistic3A_31 : vector<128x1024xf32>
      %mul3A_32 = arith.mulf %mul3A, %dot_general3A_26 : vector<128x1024xf32>
      %convert_element_type3A_33 = arith.truncf %mul3A_32 : vector<128x1024xf32> to vector<128x1024xbf16>
      %dot_general3A_34 = arith.constant dense<0.000000e+00> : vector<128x1024xf32>
      %dot_general3A_35 = tpu.matmul %convert_element_type3A_33, %convert_element_type3A_23, %dot_general3A_34 {dimension_numbers = #tpu.dot_dimension_numbers<[1], [0], [0], [1], [0, 0, 1, 1], [], []>, transpose_lhs_hint = false} : vector<128x1024xbf16>, vector<1024x1024xbf16>, vector<128x1024xf32> -> vector<128x1024xf32>
      %swap3A = arith.constant 0 : index
      %swap3A_36 = arith.constant 0 : index
      %swap3A_37 = vector.load %arg6[%swap3A, %swap3A_36] : memref<128x1024xf32, #tpu.memory_space<vmem>>, vector<128x1024xf32>
      tpu.vector_store %arg6[%swap3A, %swap3A_36], %dot_general3A_35 {strides = array<i32>} : memref<128x1024xf32, #tpu.memory_space<vmem>>, vector<128x1024xf32>,
    } else {
    }
    return
  }
  func.func @transform_0(%arg0: i32, %arg1: memref<64xi32, #tpu.memory_space<smem>>) -> (i32, i32) {
    %get3A = arith.constant 63 : index
    %get3A_0 = memref.load %arg1[%get3A] : memref<64xi32, #tpu.memory_space<smem>>
    %sub3A = arith.constant 1 : i32
    %sub3A_1 = arith.subi %get3A_0, %sub3A : i32
    %min3A = arith.minsi %arg0, %sub3A_1 : i32
    %c0_i32 = arith.constant 0 : i32
    %c0_i32_2 = arith.constant 0 : i32
    return %min3A, %c0_i32 : i32, i32
  }
  func.func @transform_1(%arg0: i32, %arg1: memref<64xi32, #tpu.memory_space<smem>>) -> (i32, i32, i32) {
    %get3A = arith.constant 63 : index
    %get3A_0 = memref.load %arg1[%get3A] : memref<64xi32, #tpu.memory_space<smem>>
    %sub3A = arith.constant 1 : i32
    %sub3A_1 = arith.subi %get3A_0, %sub3A : i32
    %min3A = arith.minsi %arg0, %sub3A_1 : i32
    %get3A_2 = arith.index_cast %min3A : i32 to index
    %get3A_3 = memref.load %arg1[%get3A_2] : memref<64xi32, #tpu.memory_space<smem>>
    %c0_i32 = arith.constant 0 : i32
    %c0_i32_4 = arith.constant 0 : i32
    %c0_i32_5 = arith.constant 0 : i32
    return %get3A_3, %c0_i32, %c0_i32_4 : i32, i32, i32
  }
  func.func @transform_2(%arg0: i32, %arg1: memref<64xi32, #tpu.memory_space<smem>>) -> (i32, i32, i32) {
    %get3A = arith.constant 63 : index
    %get3A_0 = memref.load %arg1[%get3A] : memref<64xi32, #tpu.memory_space<smem>>
    %sub3A = arith.constant 1 : i32
    %sub3A_1 = arith.subi %get3A_0, %sub3A : i32
    %min3A = arith.minsi %arg0, %sub3A_1 : i32
    %get3A_2 = arith.index_cast %min3A : i32 to index
    %get3A_3 = memref.load %arg1[%get3A_2] : memref<64xi32, #tpu.memory_space<smem>>
    %c0_i32 = arith.constant 0 : i32
    %c0_i32_4 = arith.constant 0 : i32
    %c0_i32_5 = arith.constant 0 : i32
    return %get3A_3, %c0_i32, %c0_i32_4 : i32, i32, i32
  }
  func.func @transform_3(%arg0: i32, %arg1: memref<64xi32, #tpu.memory_space<smem>>) -> (i32, i32, i32) {
    %get3A = arith.constant 63 : index
    %get3A_0 = memref.load %arg1[%get3A] : memref<64xi32, #tpu.memory_space<smem>>
    %sub3A = arith.constant 1 : i32
    %sub3A_1 = arith.subi %get3A_0, %sub3A : i32
    %min3A = arith.minsi %arg0, %sub3A_1 : i32
    %get3A_2 = arith.index_cast %min3A : i32 to index
    %get3A_3 = memref.load %arg1[%get3A_2] : memref<64xi32, #tpu.memory_space<smem>>
    %c0_i32 = arith.constant 0 : i32
    %c0_i32_4 = arith.constant 0 : i32
    %c0_i32_5 = arith.constant 0 : i32
    return %get3A_3, %c0_i32, %c0_i32_4 : i32, i32, i32
  }
  func.func @transform_4(%arg0: i32, %arg1: memref<64xi32, #tpu.memory_space<smem>>) -> (i32, i32) {
    %get3A = arith.constant 63 : index
    %get3A_0 = memref.load %arg1[%get3A] : memref<64xi32, #tpu.memory_space<smem>>
    %sub3A = arith.constant 1 : i32
    %sub3A_1 = arith.subi %get3A_0, %sub3A : i32
    %min3A = arith.minsi %arg0, %sub3A_1 : i32
    %c0_i32 = arith.constant 0 : i32
    %c0_i32_2 = arith.constant 0 : i32
    return %min3A, %c0_i32 : i32, i32
  }
}

</mosaic_0001>

<sc_bundles>
// kernel: kernel.6.cloned.1.call-start
scs
__scs_entry_jumppad:
0x0: {  	(pc) =	sbr.rel $0x88, $3  }
0x1: {  	(tag) =	ssettag $0x0;
	lr =	simm.s32 $0x1  }
0x2: {  	[smem:$0x3F9C] =	sst lr;
	_ =	strace $0xD0000000  }
0x3: {  	_ = 	snop  }
0x4: {  	_ = 	snop  }
0x5: {  	_ = 	snop  }
0x6: {  	_ = 	snop  }
0x7: {  	_ = 	snop  }
__scs_overlays_trampoline_lowered:
0x8: {  	[smem:$0x3FAB] =	sst s0  }
0x9: {  	[smem:$0x3FAC] =	sst s1  }
0xa: {  	[smem:$0x3FAD] =	sst s2  }
0xb: {  	[smem:$0x3FAE] =	sst s3  }
0xc: {  	[smem:$0x3FAF] =	sst s4  }
0xd: {  	[smem:$0x3FB0] =	sst s5  }
0xe: {  	[smem:$0x3FB1] =	sst s6  }
0xf: {  	[smem:$0x3FB2] =	sst s7  }
0x10: {  	[smem:$0x3FB3] =	sst s8  }
0x11: {  	[smem:$0x3FB4] =	sst s9;
	s0 =	simm.s32 @!p0 $0x0  }
0x12: {  	s1 =	sld [smem:$0x3F9A];
	s0 =	simm.s32 @p0 $0x1  }
0x13: {  	[smem:$0x3FB5] =	sst s0;
	s0 =	simm.s32 @!p1 $0x0  }
0x14: {  	s2 =	sld [smem:$0x3F99];
	s0 =	simm.s32 @p1 $0x1  }
0x15: {  	[smem:$0x3FB6] =	sst s0;
	s0 =	simm.s32 @!p2 $0x0  }
0x16: {  	s3 =	sld [smem:$0x3FDB];
	s0 =	simm.s32 @p2 $0x1  }
0x17: {  	s4 =	simm.s32 $0x1BF5;
	[smem:$0x3FB8] =	sst s0  }
0x18: {  	s0 =	sld [smem:$0x3F9B];
	_ =	swait.ge [sflag:s4], $0x0  }
0x19: {  	s7 =	sld [smem:$0x3F9C]  }
0x1a: {  	s8 =	sadd.s32 $0xFFFFE003, lr  }
0x1b: {  	s9 =	sadd.s32 $0xFFFFFEF7, lr;
	s5 =	simm.s32 $0xFFFFFFFF;
	p2 =	slt.u32 s8, $0xFFFFF086  }
0x1c: {  	p1 =	slt.u32 s9, $0xF7A;
	s5 =	simm.s32 @!p2 $0x0  }
0x1d: {  	s5 =	simm.s32 @p1 $0x1;
	p0 =	seq.s32 s7, s2  }
0x1e: {  	s7 =	smul.u32 @!p0 $0xF7A, s2;
	p2 =	seq.s32 @!p0 s5, $0x0  }
0x1f: {  	s9 =	smul.u32 $0xF7A, s1;
	s8 =	simm.s32 @!p0 $0x1BF5;
	p2 =	por !p2, p0  }
0x20: {  	[sflag:s8] =	ssyncset.s32 @!p0 $0xFFFFF086;
	s6 =	sadd.s32 @!p0 s3, s7;
	s7 =	simm.s32 @!p0 $0x108  }
0x21: {  	s3 =	sadd.s32 s3, s9;
	s6 =	sadd.s32 @!p0 $0x88, s6;
	s7 =	simm.s32 @p2 $0x1082  }
0x22: {  	[simem:s7], [sflag:s8] =	dma.local @!p0 [hbm:s6], $0xF7A  }
0x23: {  	s9 =	sor.u32 $0xD0000000, s2;
	s6 =	simm.s32 $0x108;
	_ =	swait.ge @!p0 [sflag:s8], $0x0  }
0x24: {  	s3 =	sadd.s32 $0x88, s3;
	s6 =	simm.s32 @!p1 $0x1082;
	[sflag:s4] =	ssyncset.s32 $0xFFFFF086  }
0x25: {  	[simem:s6], [sflag:s4] =	dma.local [hbm:s3], $0xF7A  }
0x26: {  	[smem:$0x3F9C] =	sst s1;
	(tag) =	ssettag s2;
	_ =	strace s9  }
0x27: {  	s1 =	sld [smem:$0x3FAC]  }
0x28: {  	s2 =	sld [smem:$0x3FAD]  }
0x29: {  	s4 =	sld [smem:$0x3FAF]  }
0x2a: {  	p0 =	seq.s32 s5, $0x0;
	s5 =	sld [smem:$0x3FB0]  }
0x2b: {  	s6 =	sld [smem:$0x3FB1]  }
0x2c: {  	s7 =	sld [smem:$0x3FB2]  }
0x2d: {  	s3 =	simm.s32 $0x108;
	s8 =	sld [smem:$0x3FB3]  }
0x2e: {  	s3 =	simm.s32 @!p0 $0x1082;
	s9 =	sld [smem:$0x3FB4]  }
0x2f: {  	lr =	sadd.s32 s0, s3;
	s0 =	sld [smem:$0x3FAB]  }
0x30: {  	s3 =	sld [smem:$0x3FAE]  }
0x31: {  	[smem:$0x3FB7] =	sst s10  }
0x32: {  	s10 =	sld [smem:$0x3FB5];
	_ =	sdelay $0x3  }
0x33: {  	p0 =	seq.s32 s10, $0x1;
	s10 =	sld [smem:$0x3FB7];
	_ =	sdelay $0x3  }
0x34: {  	[smem:$0x3FB7] =	sst s10  }
0x35: {  	s10 =	sld [smem:$0x3FB6];
	_ =	sdelay $0x3  }
0x36: {  	p1 =	seq.s32 s10, $0x1;
	s10 =	sld [smem:$0x3FB7];
	_ =	sdelay $0x3  }
0x37: {  	[smem:$0x3FB7] =	sst s10  }
0x38: {  	s10 =	sld [smem:$0x3FB8]  }
0x39: {  	_ = 	snop;
	(pc) =	sbr.ind lr, $3  }
0x3a: {  	_ = 	snop  }
0x3b: {  	_ = 	snop  }
0x3c: {  	p2 =	seq.s32 s10, $0x1;
	s10 =	sld [smem:$0x3FB7]  }
0x3d: {  	_ =	shalt  }
0x3e: {  	_ =	shalt  }
0x3f: {  	_ =	shalt  }
0x40: {  	_ =	shalt  }
0x41: {  	_ =	shalt  }
0x42: {  	_ =	shalt  }
0x43: {  	_ =	shalt  }
0x44: {  	_ =	shalt  }
0x45: {  	_ =	shalt  }
0x46: {  	_ =	shalt  }
0x47: {  	_ =	shalt  }
0x48: {  	_ =	shalt  }
0x49: {  	_ =	shalt  }
0x4a: {  	_ =	shalt  }
0x4b: {  	_ =	shalt  }
0x4c: {  	_ =	shalt  }
0x4d: {  	_ =	shalt  }
0x4e: {  	_ =	shalt  }
0x4f: {  	_ =	shalt  }
0x50: {  	_ =	shalt  }
0x51: {  	_ =	shalt  }
0x52: {  	_ =	shalt  }
0x53: {  	_ =	shalt  }
0x54: {  	_ =	shalt  }
0x55: {  	_ =	shalt  }
0x56: {  	_ =	shalt  }
0x57: {  	_ =	shalt  }
0x58: {  	_ =	shalt  }
0x59: {  	_ =	shalt  }
0x5a: {  	_ =	shalt  }
0x5b: {  	_ =	shalt  }
0x5c: {  	_ =	shalt  }
0x5d: {  	_ =	shalt  }
0x5e: {  	_ =	shalt  }
0x5f: {  	_ =	shalt  }
0x60: {  	_ =	shalt  }
0x61: {  	_ =	shalt  }
0x62: {  	_ =	shalt  }
0x63: {  	_ =	shalt  }
0x64: {  	_ =	shalt  }
0x65: {  	_ =	shalt  }
0x66: {  	_ =	shalt  }
0x67: {  	_ =	shalt  }
0x68: {  	_ =	shalt  }
0x69: {  	_ =	shalt  }
0x6a: {  	_ =	shalt  }
0x6b: {  	_ =	shalt  }
0x6c: {  	_ =	shalt  }
0x6d: {  	_ =	shalt  }
0x6e: {  	_ =	shalt  }
0x6f: {  	_ =	shalt  }
0x70: {  	_ =	shalt  }
0x71: {  	_ =	shalt  }
0x72: {  	_ =	shalt  }
0x73: {  	_ =	shalt  }
0x74: {  	_ =	shalt  }
0x75: {  	_ =	shalt  }
0x76: {  	_ =	shalt  }
0x77: {  	_ =	shalt  }
0x78: {  	_ =	shalt  }
0x79: {  	_ =	shalt  }
0x7a: {  	_ =	shalt  }
0x7b: {  	_ =	shalt  }
0x7c: {  	_ =	shalt  }
0x7d: {  	_ =	shalt  }
0x7e: {  	_ =	shalt  }
0x7f: {  	_ =	shalt  }
0x80: {  	_ =	shalt  }
0x81: {  	_ =	shalt  }
0x82: {  	_ =	shalt  }
0x83: {  	_ =	shalt  }
0x84: {  	_ =	shalt  }
0x85: {  	_ =	shalt  }
0x86: {  	_ =	shalt  }
0x87: {  	_ =	shalt  }
.Lfunc_end0:
.L_simem_size_0:
called_computation_lowered:
.L_overlay_start_0:
0x88: {  	s2 =	sld [smem:$0x3FD9]  }
0x89: {  	s3 =	sld [smem:$0x3FFE];
	_ =	sdelay $0x1  }
0x8a: {  	s1 =	srdreg.scid  }
0x8b: {  	s0 =	sand.u32 $0x1, s1  }
0x8c: {  	s17 =	sshll.u32 s0, $0xA;
	s2 =	sadd.s32 s3, s2  }
0x8d: {  	s2 =	sadd.s32 s2, s17  }
0x8e: {  	[smem:$0x3FC3] =	sst s2  }
0x8f: {  	_ = 	snop  }
0x90: {  	s2 =	sld [smem:$0x3FC9];
	(tm) =	ssettm $0x1  }
0x91: {  	s18 =	sld [smem:$0x3FFB];
	_ =	sdelay $0x3  }
0x92: {  	_ =	strace s18  }
0x93: {  	s3 =	sld [smem:$0x3FFC];
	_ =	sdelay $0x3  }
0x94: {  	_ =	strace s3  }
0x95: {  	s3 =	sld [smem:$0x3FFD];
	_ =	sdelay $0x3  }
0x96: {  	_ =	strace s3  }
0x97: {  	_ =	strace $0x8FFFFFFF  }
0x98: {  	s19 =	sld [smem:$0x3FDB];
	_ =	sdelay $0x1  }
0x99: {  	s4 =	simm.s32 $_scs_section_size  }
0x9a: {  	s5 =	simm.s32 $_size__tile_overlayer_lowered;
	s6 =	simm.s32 $_tile_overlayer_lowered  }
0x9b: {  	s22 =	simm.s32 $0x1BFF;
	s21 =	sshll.u32 s6, $0x1;
	s3 =	sadd.s32 s4, s19  }
0x9c: {  	s7 =	simm.s32 $0x0;
	s20 =	sshll.u32 s5, $0x1;
	s5 =	sadd.s32 s21, s3  }
0x9d: {  	[timem:s7], [sflag:s22] =	dma.local [hbm:s5], s20  }
0x9e: {  	_ =	swait.ge [sflag:s22], s20  }
0x9f: {  	s4 =	ssub.s32 $0x0, s20;
	[sflag:s22] =	ssyncset.done $0x0  }
0xa0: {  	[sflag:s22] =	ssyncadd.s32 s4;
	_ =	sdelay $0x1  }
0xa1: {  	s23 =	simm.s32 $0x1B8B  }
0xa2: {  	_ =	swait.ge [sflag:s23], $0x1  }
0xa3: {  	[sflag:s23] =	ssyncset.done $0x0  }
0xa4: {  	s25 =	simm.s32 $0x1B8E;
	s24 =	sld [smem:$0x3FFE];
	[sflag:s23] =	ssyncadd.s32 $0xFFFFFFFF  }
0xa5: {  	s26 =	simm.s32 $execute0_lowered;
	[smem:$0x3FD2] =	sst s25  }
0xa6: {  	s5 =	sshll.u32 s26, $0x1;
	_ =	strace $0x80000046;
	[dreg:$0x1] =	wrdreg $0xFFFFFFFF  }
0xa7: {  	s28 =	simm.s32 $_size_execute0_lowered;
	s3 =	sadd.s32 s3, s5;
	[dreg:$0x0] =	wrdreg $0x0  }
0xa8: {  	s5 =	sshll.u32 s28, $0x1;
	[dreg:$0x2] =	wrdreg s3  }
0xa9: {  	[dreg:$0x3] =	wrdreg s5  }
0xaa: {  	[dreg:$0x4] =	wrdreg $0xC0  }
0xab: {  	_ =	task [dreg:s7], $0x5FFFF  }
0xac: {  	[dreg:$0x1] =	wrdreg $0xFFFFFFFF  }
0xad: {  	[dreg:$0x0] =	wrdreg $0x60  }
0xae: {  	[dreg:$0x2] =	wrdreg s2  }
0xaf: {  	[dreg:$0x3] =	wrdreg s24  }
0xb0: {  	[dreg:$0x4] =	wrdreg $0x9  }
0xb1: {  	_ =	task.clear_ibuf [dreg:s7], $0x5FFFF;
	_ =	strace $0x90000046  }
0xb2: {  	s29 =	simm.s32 $0x9;
	_ =	strace $0x80000048  }
0xb3: {  	_ =	swait.ge [sflag:s29], $0x1  }
0xb4: {  	[sflag:s29] =	ssyncadd.s32 $0xFFFFFFFF  }
0xb5: {  	_ =	strace $0x90000048  }
0xb6: {  	_ =	sfence  }
0xb7: {  	s30 =	sld [smem:$0x0];
	_ =	sdelay $0x2  }
0xb8: {  	s31 =	sshll.u32 s1, $0xD;
	s1 =	sshrl.u32 s1, $0x2  }
0xb9: {  	s3 =	sand.u32 $0x4000, s31;
	s1 =	sadd.s32 s1, s30  }
0xba: {  	s0 =	sor.u32 s3, s0;
	s1 =	sshll.u32 s1, $0x11  }
0xbb: {  	s0 =	sor.u32 s1, s0  }
0xbc: {  	s0 =	sadd.s32 $0x8F2B, s0  }
0xbd: {  	[sflag:s0] =	ssyncadd.remote.s32 $0x1  }
0xbe: {  	_ =	sfence.sel $0xFFFF  }
0xbf: {  	[dreg:$0x0] =	wrdreg $0xFFFFFFFF;
	(pc) =	sbr.abs _section_cstart, $3  }
0xc0: {  	[dreg:$0x1] =	wrdreg $0xFFFFFFFF  }
0xc1: {  	_ =	task.clear_ibuf [dreg:s7], $0x2FFFF;
	_ =	strace $0x9FFFFFFF  }
0xc2: {  	(tm) =	ssettm $0x7FFFFFFF  }
0xc3: {  	_ =	shalt  }
tec
execute0_lowered:
.L_overlay_start_1:
0x0: {  	(tag) =	ssettag $0x1  }
0x1: {  	s0 =	srdreg.scid;
	s1 =	rddreg [dreg:$0x0]  }
0x2: {  	s2 =	stileid.u32;
	s6 =	rddreg [dreg:$0x1]  }
0x3: {  	s26 =	simm.s32 $0x80;
	s10 =	simm.s32 $0x1;
	s25 =	simm.s32 $0x2100  }
0x4: {  	s28 =	simm.s32 $0x3100;
	s29 =	simm.s32 $0x3900;
	s30 =	simm.s32 $0x4100  }
0x5: {  	s31 =	simm.s32 $0x4900;
	s12 =	simm.s32 $0x6100;
	s13 =	simm.s32 $0x6900  }
0x6: {  	s14 =	simm.s32 $0x7100;
	s15 =	simm.s32 $0x7900;
	s16 =	simm.s32 $0x8100  }
0x7: {  	s17 =	simm.s32 $0x8900;
	s18 =	simm.s32 $0x9100;
	s19 =	simm.s32 $0x9900  }
0x8: {  	s20 =	simm.s32 $0xA100;
	s21 =	simm.s32 $0xA900;
	s9 =	simm.s32 $0xB900  }
0x9: {  	s0 =	sand.u32 $0x1, s0;
	s3 =	sshll.u32 s2, $0x7;
	s2 =	simm.s32 $0x0  }
0xa: {  	s4 =	sshll.u32 s0, $0x6;
	[smem:$0x7FF] =	sst s2;
	s0 =	ssub.s32 $0x2, s0  }
0xb: {  	s4 =	sor.u32 s4, s3;
	_ =	strace $0x80000047;
	s7 =	sshrl.u32 s0, $0x1  }
0xc: {  	[dreg:$0x6] =	wrdreg s26;
	s26 =	simm.s32 $0x2900;
	s3 =	sshrl.u32 s4, $0x3  }
0xd: {  	s4 =	sshll.u32 s4, $0x7;
	s0 =	ssub.s32 s0, s7;
	s5 =	sadd.s32 s3, s6  }
0xe: {  	s3 =	sadd.s32 $0x11A00, s6;
	s1 =	sadd.s32 s1, s4;
	s4 =	sadd.s32 $0x11B00, s6  }
0xf: {  	v2 =	vlaneseq.u32;
	s7 =	smax.u32 s0, $0x1;
	s8 =	sadd.s32 $0x1600, s5;
	[dreg:$0x5] =	wrdreg s1  }
0x10: {  	vm0 =	vmmov $0xffff;
	v1 =	vshrl.u32 v2, $0x3;
	s5 =	sadd.s32 $0x1800, s5;
	s1 =	simm.s32 $0x2;
	[dreg:$0x3] =	wrdreg s8  }
0x11: {  	v0 =	vand.u32 $0x7, v2;
	v2 =	vor.u32 $0x8, v2;
	v1 =	vmul.u32 $0x8, v1;
	[dreg:$0x4] =	wrdreg s5;
	s5 =	sadd.s32 $0x11C00, s6;
	s6 =	sadd.s32 $0x11D00, s6  }
.LBB2_1:
0x12: {  	s22 =	rddreg [dreg:$0x3]  }
0x13: {  	s23 =	rddreg [dreg:$0x4]  }
0x14: {  	[tilespmem:s2], [sflag:$0x1] =	stream.linear.gather [hbm4b:s22+s2], $0x40, $0x38;
	[tilespmem:$0x10100] =	vst v63  }
0x15: {  	s24 =	rddreg [dreg:$0x6]  }
0x16: {  	[tilespmem:s24], [sflag:$0x2] =	stream.linear.gather [hbm4b:s23+s2], $0x40, $0x38;
	[tilespmem:$0x10100] =	vst v63  }
0x17: {  	s0 =	rddreg [dreg:$0x5];
	s11 =	simm.s32 $0x100  }
0x18: {  	[tilespmem:s11], [sflag:$0x3] =	stream.linear.gather [hbm4b:s0+s2], $0x10000, $0x38;
	[tilespmem:$0x10100] =	vst v63  }
0x19: {  	_ =	swait.ge [sflag:s10], $0x40  }
0x1a: {  	[sflag:s10] =	ssyncset.done $0x0  }
0x1b: {  	[sflag:s10] =	ssyncadd.s32 $0xFFFFFFC0  }
0x1c: {  	_ =	swait.ge [sflag:s1], $0x40  }
0x1d: {  	[sflag:s1] =	ssyncset.done $0x0  }
0x1e: {  	s0 =	simm.s32 $0x3;
	[sflag:s1] =	ssyncadd.s32 $0xFFFFFFC0  }
0x1f: {  	_ =	swait.ge [sflag:s0], $0x10000  }
0x20: {  	[sflag:s0] =	ssyncset.done $0x0  }
0x21: {  	[sflag:s0] =	ssyncadd.s32 $0xFFFF0000  }
0x22: {  	v3 =	vld [tilespmem:$0x0];
	_ =	sdelay $0x4  }
0x23: {  	v4 =	vshll.u32 v3, $0x3  }
0x24: {  	v3 =	vand.u32 $0x7, v3;
	v4 =	vand.u32 $0xFFFFFFC0, v4  }
0x25: {  	v3 =	vor.u32 v3, v4  }
0x26: {  	v4 =	vperm.xlane v3, v0;
	_ =	sdelay $0x1  }
0x27: {  	v4 =	vadd.s32 v1, v4;
	_ =	sdelay $0x4  }
0x28: {  	[hbm4b:s3+s2] =	stream.indirect_vreg.scatter [tilespmem:s11], [sflag:$0x1], $0x80, v4, vm0, $0xb8;
	[tilespmem:$0x10100] =	vst v63  }
0x29: {  	s22 =	simm.s32 $0x900;
	v3 =	vperm.xlane v3, v2  }
0x2a: {  	[hbm4b:s4+s2] =	stream.indirect_vreg.scatter [tilespmem:s22], [sflag:$0x1], $0x80, v4, vm0, $0xb8;
	[tilespmem:$0x10100] =	vst v63  }
0x2b: {  	s23 =	simm.s32 $0x1100;
	v3 =	vadd.s32 v1, v3  }
0x2c: {  	[hbm4b:s5+s2] =	stream.indirect_vreg.scatter [tilespmem:s23], [sflag:$0x1], $0x80, v4, vm0, $0xb8;
	[tilespmem:$0x10100] =	vst v63  }
0x2d: {  	s24 =	simm.s32 $0x1900  }
0x2e: {  	[hbm4b:s6+s2] =	stream.indirect_vreg.scatter [tilespmem:s24], [sflag:$0x1], $0x80, v4, vm0, $0xb8;
	[tilespmem:$0x10100] =	vst v63  }
0x2f: {  	_ = 	snop  }
0x30: {  	[hbm4b:s3+s2] =	stream.indirect_vreg.scatter [tilespmem:s25], [sflag:$0x1], $0x80, v3, vm0, $0xb8;
	[tilespmem:$0x10100] =	vst v63  }
0x31: {  	_ = 	snop  }
0x32: {  	[hbm4b:s4+s2] =	stream.indirect_vreg.scatter [tilespmem:s26], [sflag:$0x1], $0x80, v3, vm0, $0xb8;
	[tilespmem:$0x10100] =	vst v63  }
0x33: {  	_ = 	snop  }
0x34: {  	[hbm4b:s5+s2] =	stream.indirect_vreg.scatter [tilespmem:s28], [sflag:$0x1], $0x80, v3, vm0, $0xb8;
	[tilespmem:$0x10100] =	vst v63  }
0x35: {  	_ = 	snop  }
0x36: {  	[hbm4b:s6+s2] =	stream.indirect_vreg.scatter [tilespmem:s29], [sflag:$0x1], $0x80, v3, vm0, $0xb8;
	[tilespmem:$0x10100] =	vst v63  }
0x37: {  	v3 =	vld [tilespmem:$0x10];
	_ =	sdelay $0x4  }
0x38: {  	v57 =	vshll.u32 v3, $0x3  }
0x39: {  	v3 =	vand.u32 $0x7, v3;
	v4 =	vand.u32 $0xFFFFFFC0, v57  }
0x3a: {  	v3 =	vor.u32 v3, v4  }
0x3b: {  	v4 =	vperm.xlane v3, v0;
	_ =	sdelay $0x1  }
0x3c: {  	v4 =	vadd.s32 v1, v4;
	_ =	sdelay $0x4  }
0x3d: {  	[hbm4b:s3+s2] =	stream.indirect_vreg.scatter [tilespmem:s30], [sflag:$0x1], $0x80, v4, vm0, $0xb8;
	[tilespmem:$0x10100] =	vst v63  }
0x3e: {  	v3 =	vperm.xlane v3, v2  }
0x3f: {  	[hbm4b:s4+s2] =	stream.indirect_vreg.scatter [tilespmem:s31], [sflag:$0x1], $0x80, v4, vm0, $0xb8;
	[tilespmem:$0x10100] =	vst v63  }
0x40: {  	s8 =	simm.s32 $0x5100;
	v3 =	vadd.s32 v1, v3  }
0x41: {  	[hbm4b:s5+s2] =	stream.indirect_vreg.scatter [tilespmem:s8], [sflag:$0x1], $0x80, v4, vm0, $0xb8;
	[tilespmem:$0x10100] =	vst v63  }
0x42: {  	s8 =	simm.s32 $0x5900  }
0x43: {  	[hbm4b:s6+s2] =	stream.indirect_vreg.scatter [tilespmem:s8], [sflag:$0x1], $0x80, v4, vm0, $0xb8;
	[tilespmem:$0x10100] =	vst v63  }
0x44: {  	_ = 	snop  }
0x45: {  	[hbm4b:s3+s2] =	stream.indirect_vreg.scatter [tilespmem:s12], [sflag:$0x1], $0x80, v3, vm0, $0xb8;
	[tilespmem:$0x10100] =	vst v63  }
0x46: {  	_ = 	snop  }
0x47: {  	[hbm4b:s4+s2] =	stream.indirect_vreg.scatter [tilespmem:s13], [sflag:$0x1], $0x80, v3, vm0, $0xb8;
	[tilespmem:$0x10100] =	vst v63  }
0x48: {  	_ = 	snop  }
0x49: {  	[hbm4b:s5+s2] =	stream.indirect_vreg.scatter [tilespmem:s14], [sflag:$0x1], $0x80, v3, vm0, $0xb8;
	[tilespmem:$0x10100] =	vst v63  }
0x4a: {  	_ = 	snop  }
0x4b: {  	[hbm4b:s6+s2] =	stream.indirect_vreg.scatter [tilespmem:s15], [sflag:$0x1], $0x80, v3, vm0, $0xb8;
	[tilespmem:$0x10100] =	vst v63  }
0x4c: {  	v3 =	vld [tilespmem:$0x20];
	_ =	sdelay $0x4  }
0x4d: {  	v58 =	vshll.u32 v3, $0x3  }
0x4e: {  	v3 =	vand.u32 $0x7, v3;
	v4 =	vand.u32 $0xFFFFFFC0, v58  }
0x4f: {  	v3 =	vor.u32 v3, v4  }
0x50: {  	v4 =	vperm.xlane v3, v0;
	_ =	sdelay $0x1  }
0x51: {  	v4 =	vadd.s32 v1, v4;
	_ =	sdelay $0x4  }
0x52: {  	[hbm4b:s3+s2] =	stream.indirect_vreg.scatter [tilespmem:s16], [sflag:$0x1], $0x80, v4, vm0, $0xb8;
	[tilespmem:$0x10100] =	vst v63  }
0x53: {  	v3 =	vperm.xlane v3, v2  }
0x54: {  	[hbm4b:s4+s2] =	stream.indirect_vreg.scatter [tilespmem:s17], [sflag:$0x1], $0x80, v4, vm0, $0xb8;
	[tilespmem:$0x10100] =	vst v63  }
0x55: {  	v3 =	vadd.s32 v1, v3  }
0x56: {  	[hbm4b:s5+s2] =	stream.indirect_vreg.scatter [tilespmem:s18], [sflag:$0x1], $0x80, v4, vm0, $0xb8;
	[tilespmem:$0x10100] =	vst v63  }
0x57: {  	_ = 	snop  }
0x58: {  	[hbm4b:s6+s2] =	stream.indirect_vreg.scatter [tilespmem:s19], [sflag:$0x1], $0x80, v4, vm0, $0xb8;
	[tilespmem:$0x10100] =	vst v63  }
0x59: {  	_ = 	snop  }
0x5a: {  	[hbm4b:s3+s2] =	stream.indirect_vreg.scatter [tilespmem:s20], [sflag:$0x1], $0x80, v3, vm0, $0xb8;
	[tilespmem:$0x10100] =	vst v63  }
0x5b: {  	_ = 	snop  }
0x5c: {  	[hbm4b:s4+s2] =	stream.indirect_vreg.scatter [tilespmem:s21], [sflag:$0x1], $0x80, v3, vm0, $0xb8;
	[tilespmem:$0x10100] =	vst v63  }
0x5d: {  	s8 =	simm.s32 $0xB100  }
0x5e: {  	[hbm4b:s5+s2] =	stream.indirect_vreg.scatter [tilespmem:s8], [sflag:$0x1], $0x80, v3, vm0, $0xb8;
	[tilespmem:$0x10100] =	vst v63  }
0x5f: {  	_ = 	snop  }
0x60: {  	[hbm4b:s6+s2] =	stream.indirect_vreg.scatter [tilespmem:s9], [sflag:$0x1], $0x80, v3, vm0, $0xb8;
	[tilespmem:$0x10100] =	vst v63  }
0x61: {  	v3 =	vld [tilespmem:$0x30];
	_ =	sdelay $0x4  }
0x62: {  	v59 =	vshll.u32 v3, $0x3  }
0x63: {  	v3 =	vand.u32 $0x7, v3;
	v4 =	vand.u32 $0xFFFFFFC0, v59  }
0x64: {  	v3 =	vor.u32 v3, v4  }
0x65: {  	v4 =	vperm.xlane v3, v0;
	_ =	sdelay $0x1  }
0x66: {  	v4 =	vadd.s32 v1, v4;
	_ =	sdelay $0x3  }
0x67: {  	s0 =	simm.s32 $0xC100  }
0x68: {  	[hbm4b:s3+s2] =	stream.indirect_vreg.scatter [tilespmem:s0], [sflag:$0x1], $0x80, v4, vm0, $0xb8;
	[tilespmem:$0x10100] =	vst v63  }
0x69: {  	v3 =	vperm.xlane v3, v2;
	s0 =	simm.s32 $0xC900  }
0x6a: {  	[hbm4b:s4+s2] =	stream.indirect_vreg.scatter [tilespmem:s0], [sflag:$0x1], $0x80, v4, vm0, $0xb8;
	[tilespmem:$0x10100] =	vst v63  }
0x6b: {  	v3 =	vadd.s32 v1, v3;
	s0 =	simm.s32 $0xD100  }
0x6c: {  	[hbm4b:s5+s2] =	stream.indirect_vreg.scatter [tilespmem:s0], [sflag:$0x1], $0x80, v4, vm0, $0xb8;
	[tilespmem:$0x10100] =	vst v63  }
0x6d: {  	s0 =	simm.s32 $0xD900  }
0x6e: {  	[hbm4b:s6+s2] =	stream.indirect_vreg.scatter [tilespmem:s0], [sflag:$0x1], $0x80, v4, vm0, $0xb8;
	[tilespmem:$0x10100] =	vst v63  }
0x6f: {  	s0 =	simm.s32 $0xE100  }
0x70: {  	[hbm4b:s3+s2] =	stream.indirect_vreg.scatter [tilespmem:s0], [sflag:$0x1], $0x80, v3, vm0, $0xb8;
	[tilespmem:$0x10100] =	vst v63  }
0x71: {  	s0 =	simm.s32 $0xE900  }
0x72: {  	[hbm4b:s4+s2] =	stream.indirect_vreg.scatter [tilespmem:s0], [sflag:$0x1], $0x80, v3, vm0, $0xb8;
	[tilespmem:$0x10100] =	vst v63  }
0x73: {  	s0 =	simm.s32 $0xF100  }
0x74: {  	[hbm4b:s5+s2] =	stream.indirect_vreg.scatter [tilespmem:s0], [sflag:$0x1], $0x80, v3, vm0, $0xb8;
	[tilespmem:$0x10100] =	vst v63  }
0x75: {  	s0 =	simm.s32 $0xF900  }
0x76: {  	[hbm4b:s6+s2] =	stream.indirect_vreg.scatter [tilespmem:s0], [sflag:$0x1], $0x80, v3, vm0, $0xb8;
	[tilespmem:$0x10100] =	vst v63  }
0x77: {  	v3 =	vld [tilespmem:$0x80];
	_ =	sdelay $0x4  }
0x78: {  	v60 =	vshll.u32 v3, $0x3  }
0x79: {  	v3 =	vand.u32 $0x7, v3;
	v4 =	vand.u32 $0xFFFFFFC0, v60  }
0x7a: {  	v3 =	vor.u32 v3, v4  }
0x7b: {  	v4 =	vperm.xlane v3, v0;
	_ =	sdelay $0x1  }
0x7c: {  	v4 =	vadd.s32 v1, v4;
	_ =	sdelay $0x4  }
0x7d: {  	[hbm4b:s3+s2] =	stream.indirect_vreg.scatter [tilespmem:s11], [sflag:$0x2], $0x80, v4, vm0, $0xb8;
	[tilespmem:$0x10100] =	vst v63  }
0x7e: {  	v3 =	vperm.xlane v3, v2  }
0x7f: {  	[hbm4b:s4+s2] =	stream.indirect_vreg.scatter [tilespmem:s22], [sflag:$0x2], $0x80, v4, vm0, $0xb8;
	[tilespmem:$0x10100] =	vst v63  }
0x80: {  	v3 =	vadd.s32 v1, v3  }
0x81: {  	[hbm4b:s5+s2] =	stream.indirect_vreg.scatter [tilespmem:s23], [sflag:$0x2], $0x80, v4, vm0, $0xb8;
	[tilespmem:$0x10100] =	vst v63  }
0x82: {  	_ = 	snop  }
0x83: {  	[hbm4b:s6+s2] =	stream.indirect_vreg.scatter [tilespmem:s24], [sflag:$0x2], $0x80, v4, vm0, $0xb8;
	[tilespmem:$0x10100] =	vst v63  }
0x84: {  	_ = 	snop  }
0x85: {  	[hbm4b:s3+s2] =	stream.indirect_vreg.scatter [tilespmem:s25], [sflag:$0x2], $0x80, v3, vm0, $0xb8;
	[tilespmem:$0x10100] =	vst v63  }
0x86: {  	_ = 	snop  }
0x87: {  	[hbm4b:s4+s2] =	stream.indirect_vreg.scatter [tilespmem:s26], [sflag:$0x2], $0x80, v3, vm0, $0xb8;
	[tilespmem:$0x10100] =	vst v63  }
0x88: {  	_ = 	snop  }
0x89: {  	[hbm4b:s5+s2] =	stream.indirect_vreg.scatter [tilespmem:s28], [sflag:$0x2], $0x80, v3, vm0, $0xb8;
	[tilespmem:$0x10100] =	vst v63  }
0x8a: {  	_ = 	snop  }
0x8b: {  	[hbm4b:s6+s2] =	stream.indirect_vreg.scatter [tilespmem:s29], [sflag:$0x2], $0x80, v3, vm0, $0xb8;
	[tilespmem:$0x10100] =	vst v63  }
0x8c: {  	v3 =	vld [tilespmem:$0x90];
	_ =	sdelay $0x4  }
0x8d: {  	v61 =	vshll.u32 v3, $0x3  }
0x8e: {  	v3 =	vand.u32 $0x7, v3;
	v4 =	vand.u32 $0xFFFFFFC0, v61  }
0x8f: {  	v3 =	vor.u32 v3, v4  }
0x90: {  	v4 =	vperm.xlane v3, v0;
	_ =	sdelay $0x1  }
0x91: {  	v4 =	vadd.s32 v1, v4;
	_ =	sdelay $0x4  }
0x92: {  	[hbm4b:s3+s2] =	stream.indirect_vreg.scatter [tilespmem:s30], [sflag:$0x2], $0x80, v4, vm0, $0xb8;
	[tilespmem:$0x10100] =	vst v63  }
0x93: {  	v3 =	vperm.xlane v3, v2  }
0x94: {  	[hbm4b:s4+s2] =	stream.indirect_vreg.scatter [tilespmem:s31], [sflag:$0x2], $0x80, v4, vm0, $0xb8;
	[tilespmem:$0x10100] =	vst v63  }
0x95: {  	s23 =	simm.s32 $0x5100;
	v3 =	vadd.s32 v1, v3  }
0x96: {  	[hbm4b:s5+s2] =	stream.indirect_vreg.scatter [tilespmem:s23], [sflag:$0x2], $0x80, v4, vm0, $0xb8;
	[tilespmem:$0x10100] =	vst v63  }
0x97: {  	s24 =	simm.s32 $0x5900  }
0x98: {  	[hbm4b:s6+s2] =	stream.indirect_vreg.scatter [tilespmem:s24], [sflag:$0x2], $0x80, v4, vm0, $0xb8;
	[tilespmem:$0x10100] =	vst v63  }
0x99: {  	_ = 	snop  }
0x9a: {  	[hbm4b:s3+s2] =	stream.indirect_vreg.scatter [tilespmem:s12], [sflag:$0x2], $0x80, v3, vm0, $0xb8;
	[tilespmem:$0x10100] =	vst v63  }
0x9b: {  	_ = 	snop  }
0x9c: {  	[hbm4b:s4+s2] =	stream.indirect_vreg.scatter [tilespmem:s13], [sflag:$0x2], $0x80, v3, vm0, $0xb8;
	[tilespmem:$0x10100] =	vst v63  }
0x9d: {  	_ = 	snop  }
0x9e: {  	[hbm4b:s5+s2] =	stream.indirect_vreg.scatter [tilespmem:s14], [sflag:$0x2], $0x80, v3, vm0, $0xb8;
	[tilespmem:$0x10100] =	vst v63  }
0x9f: {  	_ = 	snop  }
0xa0: {  	[hbm4b:s6+s2] =	stream.indirect_vreg.scatter [tilespmem:s15], [sflag:$0x2], $0x80, v3, vm0, $0xb8;
	[tilespmem:$0x10100] =	vst v63  }
0xa1: {  	v3 =	vld [tilespmem:$0xA0];
	_ =	sdelay $0x4  }
0xa2: {  	v62 =	vshll.u32 v3, $0x3  }
0xa3: {  	v3 =	vand.u32 $0x7, v3;
	v4 =	vand.u32 $0xFFFFFFC0, v62  }
0xa4: {  	v3 =	vor.u32 v3, v4  }
0xa5: {  	v4 =	vperm.xlane v3, v0;
	_ =	sdelay $0x1  }
0xa6: {  	v4 =	vadd.s32 v1, v4;
	_ =	sdelay $0x4  }
0xa7: {  	[hbm4b:s3+s2] =	stream.indirect_vreg.scatter [tilespmem:s16], [sflag:$0x2], $0x80, v4, vm0, $0xb8;
	[tilespmem:$0x10100] =	vst v63  }
0xa8: {  	v3 =	vperm.xlane v3, v2  }
0xa9: {  	[hbm4b:s4+s2] =	stream.indirect_vreg.scatter [tilespmem:s17], [sflag:$0x2], $0x80, v4, vm0, $0xb8;
	[tilespmem:$0x10100] =	vst v63  }
0xaa: {  	v3 =	vadd.s32 v1, v3  }
0xab: {  	[hbm4b:s5+s2] =	stream.indirect_vreg.scatter [tilespmem:s18], [sflag:$0x2], $0x80, v4, vm0, $0xb8;
	[tilespmem:$0x10100] =	vst v63  }
0xac: {  	_ = 	snop  }
0xad: {  	[hbm4b:s6+s2] =	stream.indirect_vreg.scatter [tilespmem:s19], [sflag:$0x2], $0x80, v4, vm0, $0xb8;
	[tilespmem:$0x10100] =	vst v63  }
0xae: {  	_ = 	snop  }
0xaf: {  	[hbm4b:s3+s2] =	stream.indirect_vreg.scatter [tilespmem:s20], [sflag:$0x2], $0x80, v3, vm0, $0xb8;
	[tilespmem:$0x10100] =	vst v63  }
0xb0: {  	_ = 	snop  }
0xb1: {  	[hbm4b:s4+s2] =	stream.indirect_vreg.scatter [tilespmem:s21], [sflag:$0x2], $0x80, v3, vm0, $0xb8;
	[tilespmem:$0x10100] =	vst v63  }
0xb2: {  	_ = 	snop  }
0xb3: {  	[hbm4b:s5+s2] =	stream.indirect_vreg.scatter [tilespmem:s8], [sflag:$0x2], $0x80, v3, vm0, $0xb8;
	[tilespmem:$0x10100] =	vst v63  }
0xb4: {  	_ = 	snop  }
0xb5: {  	[hbm4b:s6+s2] =	stream.indirect_vreg.scatter [tilespmem:s9], [sflag:$0x2], $0x80, v3, vm0, $0xb8;
	[tilespmem:$0x10100] =	vst v63  }
0xb6: {  	v3 =	vld [tilespmem:$0xB0];
	_ =	sdelay $0x4  }
0xb7: {  	v63 =	vshll.u32 v3, $0x3  }
0xb8: {  	v3 =	vand.u32 $0x7, v3;
	v4 =	vand.u32 $0xFFFFFFC0, v63  }
0xb9: {  	v3 =	vor.u32 v3, v4  }
0xba: {  	v4 =	vperm.xlane v3, v0;
	_ =	sdelay $0x1  }
0xbb: {  	v4 =	vadd.s32 v1, v4;
	_ =	sdelay $0x3  }
0xbc: {  	s22 =	simm.s32 $0xC100  }
0xbd: {  	[hbm4b:s3+s2] =	stream.indirect_vreg.scatter [tilespmem:s22], [sflag:$0x2], $0x80, v4, vm0, $0xb8;
	[tilespmem:$0x10100] =	vst v63  }
0xbe: {  	s23 =	simm.s32 $0xC900;
	v3 =	vperm.xlane v3, v2  }
0xbf: {  	[hbm4b:s4+s2] =	stream.indirect_vreg.scatter [tilespmem:s23], [sflag:$0x2], $0x80, v4, vm0, $0xb8;
	[tilespmem:$0x10100] =	vst v63  }
0xc0: {  	s24 =	simm.s32 $0xD100;
	v3 =	vadd.s32 v1, v3  }
0xc1: {  	[hbm4b:s5+s2] =	stream.indirect_vreg.scatter [tilespmem:s24], [sflag:$0x2], $0x80, v4, vm0, $0xb8;
	[tilespmem:$0x10100] =	vst v63  }
0xc2: {  	s11 =	simm.s32 $0xD900  }
0xc3: {  	[hbm4b:s6+s2] =	stream.indirect_vreg.scatter [tilespmem:s11], [sflag:$0x2], $0x80, v4, vm0, $0xb8;
	[tilespmem:$0x10100] =	vst v63  }
0xc4: {  	s22 =	simm.s32 $0xE100  }
0xc5: {  	[hbm4b:s3+s2] =	stream.indirect_vreg.scatter [tilespmem:s22], [sflag:$0x2], $0x80, v3, vm0, $0xb8;
	[tilespmem:$0x10100] =	vst v63  }
0xc6: {  	s23 =	simm.s32 $0xE900  }
0xc7: {  	[hbm4b:s4+s2] =	stream.indirect_vreg.scatter [tilespmem:s23], [sflag:$0x2], $0x80, v3, vm0, $0xb8;
	[tilespmem:$0x10100] =	vst v63  }
0xc8: {  	s24 =	simm.s32 $0xF100  }
0xc9: {  	[hbm4b:s5+s2] =	stream.indirect_vreg.scatter [tilespmem:s24], [sflag:$0x2], $0x80, v3, vm0, $0xb8;
	[tilespmem:$0x10100] =	vst v63  }
0xca: {  	_ = 	snop  }
0xcb: {  	[hbm4b:s6+s2] =	stream.indirect_vreg.scatter [tilespmem:s0], [sflag:$0x2], $0x80, v3, vm0, $0xb8;
	[tilespmem:$0x10100] =	vst v63  }
0xcc: {  	p0 =	sne.s32 s7, $0x1;
	_ =	swait.ge [sflag:s10], $0x10000  }
.Ltmp0:
0xcd: {  	[sflag:s10] =	ssyncset.done $0x0;
	(pc) =	sbr.rel @p0 .LBB2_1-.Ltmp0, $4  }
0xce: {  	[sflag:s10] =	ssyncadd.s32 $0xFFFF0000  }
0xcf: {  	_ =	swait.ge [sflag:s1], $0x10000  }
0xd0: {  	[sflag:s1] =	ssyncset.done $0x0  }
0xd1: {  	s7 =	sadd.s32 $0xFFFFFFFF, s7;
	[sflag:s1] =	ssyncadd.s32 $0xFFFF0000  }
0xd2: {  	_ =	sfence.sel $0x180000  }
0xd3: {  	[bflag:$0x0] =	sbarrier.arrive $0xFFFF  }
0xd4: {  	_ =	strace $0x90000047  }
0xd5: {  	s0 =	stileid.u32;
	[bflag:$0x2] =	sbarrier.arrive $0xFFFF  }
0xd6: {  	p0 =	sne.s32 s0, $0x0;
	s0 =	rddreg [dreg:$0x2]  }
0xd7: {  	s0 =	sadd.s32 @!p0 $0x100000, s0  }
0xd8: {  	[sflag:s0] =	ssyncadd.tile.s32 @!p0 $0x1;
	_ =	shalt  }
.Lfunc_end2:
_tile_overlayer_lowered:
.L_overlay_start_2:
0xd9: {  	(tag) =	ssettag $0x2  }
0xda: {  	s0 =	rddreg [dreg:$0x0];
	s2 =	stileid.u32  }
0xdb: {  	s1 =	rddreg [dreg:$0x1];
	p0 =	sne.s32 s2, $0x0  }
0xdc: {  	s3 =	rddreg [dreg:$0x2];
	[bflag:$0x3] =	sbarrier.arrive $0xFFFF;
	s2 =	simm.s32 @!p0 $0x1C04  }
0xdd: {  	[timem:s3], [sflag:s2] =	dma.local @!p0 [hbm:s0], s1  }
0xde: {  	s0 =	simm.s32 @!p0 $0x4  }
0xdf: {  	_ =	swait.ge @!p0 [sflag:s0], s1  }
0xe0: {  	s1 =	ssub.s32 @!p0 $0x0, s1;
	[sflag:s0] =	ssyncset.done @!p0 $0x0  }
0xe1: {  	[sflag:s0] =	ssyncadd.s32 @!p0 s1  }
0xe2: {  	[bflag:$0x3] =	sbarrier.arrive $0xFFFF  }
0xe3: {  	_ =	shalt  }

// kernel: kernel.9.cloned.1.call-start
scs
__scs_entry_jumppad:
0x0: {  	(pc) =	sbr.rel $0x88, $3  }
0x1: {  	(tag) =	ssettag $0x0;
	lr =	simm.s32 $0x1  }
0x2: {  	[smem:$0x3F9C] =	sst lr;
	_ =	strace $0xD0000000  }
0x3: {  	_ = 	snop  }
0x4: {  	_ = 	snop  }
0x5: {  	_ = 	snop  }
0x6: {  	_ = 	snop  }
0x7: {  	_ = 	snop  }
__scs_overlays_trampoline_lowered:
0x8: {  	[smem:$0x3FAB] =	sst s0  }
0x9: {  	[smem:$0x3FAC] =	sst s1  }
0xa: {  	[smem:$0x3FAD] =	sst s2  }
0xb: {  	[smem:$0x3FAE] =	sst s3  }
0xc: {  	[smem:$0x3FAF] =	sst s4  }
0xd: {  	[smem:$0x3FB0] =	sst s5  }
0xe: {  	[smem:$0x3FB1] =	sst s6  }
0xf: {  	[smem:$0x3FB2] =	sst s7  }
0x10: {  	[smem:$0x3FB3] =	sst s8  }
0x11: {  	[smem:$0x3FB4] =	sst s9;
	s0 =	simm.s32 @!p0 $0x0  }
0x12: {  	s1 =	sld [smem:$0x3F9A];
	s0 =	simm.s32 @p0 $0x1  }
0x13: {  	[smem:$0x3FB5] =	sst s0;
	s0 =	simm.s32 @!p1 $0x0  }
0x14: {  	s2 =	sld [smem:$0x3F99];
	s0 =	simm.s32 @p1 $0x1  }
0x15: {  	[smem:$0x3FB6] =	sst s0;
	s0 =	simm.s32 @!p2 $0x0  }
0x16: {  	s3 =	sld [smem:$0x3FDB];
	s0 =	simm.s32 @p2 $0x1  }
0x17: {  	s4 =	simm.s32 $0x1BF5;
	[smem:$0x3FB8] =	sst s0  }
0x18: {  	s0 =	sld [smem:$0x3F9B];
	_ =	swait.ge [sflag:s4], $0x0  }
0x19: {  	s7 =	sld [smem:$0x3F9C]  }
0x1a: {  	s8 =	sadd.s32 $0xFFFFE003, lr  }
0x1b: {  	s9 =	sadd.s32 $0xFFFFFEF7, lr;
	s5 =	simm.s32 $0xFFFFFFFF;
	p2 =	slt.u32 s8, $0xFFFFF086  }
0x1c: {  	p1 =	slt.u32 s9, $0xF7A;
	s5 =	simm.s32 @!p2 $0x0  }
0x1d: {  	s5 =	simm.s32 @p1 $0x1;
	p0 =	seq.s32 s7, s2  }
0x1e: {  	s7 =	smul.u32 @!p0 $0xF7A, s2;
	p2 =	seq.s32 @!p0 s5, $0x0  }
0x1f: {  	s9 =	smul.u32 $0xF7A, s1;
	s8 =	simm.s32 @!p0 $0x1BF5;
	p2 =	por !p2, p0  }
0x20: {  	[sflag:s8] =	ssyncset.s32 @!p0 $0xFFFFF086;
	s6 =	sadd.s32 @!p0 s3, s7;
	s7 =	simm.s32 @!p0 $0x108  }
0x21: {  	s3 =	sadd.s32 s3, s9;
	s6 =	sadd.s32 @!p0 $0x88, s6;
	s7 =	simm.s32 @p2 $0x1082  }
0x22: {  	[simem:s7], [sflag:s8] =	dma.local @!p0 [hbm:s6], $0xF7A  }
0x23: {  	s9 =	sor.u32 $0xD0000000, s2;
	s6 =	simm.s32 $0x108;
	_ =	swait.ge @!p0 [sflag:s8], $0x0  }
0x24: {  	s3 =	sadd.s32 $0x88, s3;
	s6 =	simm.s32 @!p1 $0x1082;
	[sflag:s4] =	ssyncset.s32 $0xFFFFF086  }
0x25: {  	[simem:s6], [sflag:s4] =	dma.local [hbm:s3], $0xF7A  }
0x26: {  	[smem:$0x3F9C] =	sst s1;
	(tag) =	ssettag s2;
	_ =	strace s9  }
0x27: {  	s1 =	sld [smem:$0x3FAC]  }
0x28: {  	s2 =	sld [smem:$0x3FAD]  }
0x29: {  	s4 =	sld [smem:$0x3FAF]  }
0x2a: {  	p0 =	seq.s32 s5, $0x0;
	s5 =	sld [smem:$0x3FB0]  }
0x2b: {  	s6 =	sld [smem:$0x3FB1]  }
0x2c: {  	s7 =	sld [smem:$0x3FB2]  }
0x2d: {  	s3 =	simm.s32 $0x108;
	s8 =	sld [smem:$0x3FB3]  }
0x2e: {  	s3 =	simm.s32 @!p0 $0x1082;
	s9 =	sld [smem:$0x3FB4]  }
0x2f: {  	lr =	sadd.s32 s0, s3;
	s0 =	sld [smem:$0x3FAB]  }
0x30: {  	s3 =	sld [smem:$0x3FAE]  }
0x31: {  	[smem:$0x3FB7] =	sst s10  }
0x32: {  	s10 =	sld [smem:$0x3FB5];
	_ =	sdelay $0x3  }
0x33: {  	p0 =	seq.s32 s10, $0x1;
	s10 =	sld [smem:$0x3FB7];
	_ =	sdelay $0x3  }
0x34: {  	[smem:$0x3FB7] =	sst s10  }
0x35: {  	s10 =	sld [smem:$0x3FB6];
	_ =	sdelay $0x3  }
0x36: {  	p1 =	seq.s32 s10, $0x1;
	s10 =	sld [smem:$0x3FB7];
	_ =	sdelay $0x3  }
0x37: {  	[smem:$0x3FB7] =	sst s10  }
0x38: {  	s10 =	sld [smem:$0x3FB8]  }
0x39: {  	_ = 	snop;
	(pc) =	sbr.ind lr, $3  }
0x3a: {  	_ = 	snop  }
0x3b: {  	_ = 	snop  }
0x3c: {  	p2 =	seq.s32 s10, $0x1;
	s10 =	sld [smem:$0x3FB7]  }
0x3d: {  	_ =	shalt  }
0x3e: {  	_ =	shalt  }
0x3f: {  	_ =	shalt  }
0x40: {  	_ =	shalt  }
0x41: {  	_ =	shalt  }
0x42: {  	_ =	shalt  }
0x43: {  	_ =	shalt  }
0x44: {  	_ =	shalt  }
0x45: {  	_ =	shalt  }
0x46: {  	_ =	shalt  }
0x47: {  	_ =	shalt  }
0x48: {  	_ =	shalt  }
0x49: {  	_ =	shalt  }
0x4a: {  	_ =	shalt  }
0x4b: {  	_ =	shalt  }
0x4c: {  	_ =	shalt  }
0x4d: {  	_ =	shalt  }
0x4e: {  	_ =	shalt  }
0x4f: {  	_ =	shalt  }
0x50: {  	_ =	shalt  }
0x51: {  	_ =	shalt  }
0x52: {  	_ =	shalt  }
0x53: {  	_ =	shalt  }
0x54: {  	_ =	shalt  }
0x55: {  	_ =	shalt  }
0x56: {  	_ =	shalt  }
0x57: {  	_ =	shalt  }
0x58: {  	_ =	shalt  }
0x59: {  	_ =	shalt  }
0x5a: {  	_ =	shalt  }
0x5b: {  	_ =	shalt  }
0x5c: {  	_ =	shalt  }
0x5d: {  	_ =	shalt  }
0x5e: {  	_ =	shalt  }
0x5f: {  	_ =	shalt  }
0x60: {  	_ =	shalt  }
0x61: {  	_ =	shalt  }
0x62: {  	_ =	shalt  }
0x63: {  	_ =	shalt  }
0x64: {  	_ =	shalt  }
0x65: {  	_ =	shalt  }
0x66: {  	_ =	shalt  }
0x67: {  	_ =	shalt  }
0x68: {  	_ =	shalt  }
0x69: {  	_ =	shalt  }
0x6a: {  	_ =	shalt  }
0x6b: {  	_ =	shalt  }
0x6c: {  	_ =	shalt  }
0x6d: {  	_ =	shalt  }
0x6e: {  	_ =	shalt  }
0x6f: {  	_ =	shalt  }
0x70: {  	_ =	shalt  }
0x71: {  	_ =	shalt  }
0x72: {  	_ =	shalt  }
0x73: {  	_ =	shalt  }
0x74: {  	_ =	shalt  }
0x75: {  	_ =	shalt  }
0x76: {  	_ =	shalt  }
0x77: {  	_ =	shalt  }
0x78: {  	_ =	shalt  }
0x79: {  	_ =	shalt  }
0x7a: {  	_ =	shalt  }
0x7b: {  	_ =	shalt  }
0x7c: {  	_ =	shalt  }
0x7d: {  	_ =	shalt  }
0x7e: {  	_ =	shalt  }
0x7f: {  	_ =	shalt  }
0x80: {  	_ =	shalt  }
0x81: {  	_ =	shalt  }
0x82: {  	_ =	shalt  }
0x83: {  	_ =	shalt  }
0x84: {  	_ =	shalt  }
0x85: {  	_ =	shalt  }
0x86: {  	_ =	shalt  }
0x87: {  	_ =	shalt  }
.Lfunc_end0:
.L_simem_size_0:
called_computation.1_lowered:
.L_overlay_start_0:
0x88: {  	s2 =	sld [smem:$0x3FD9]  }
0x89: {  	s3 =	sld [smem:$0x3FFE];
	_ =	sdelay $0x1  }
0x8a: {  	s1 =	srdreg.scid  }
0x8b: {  	s0 =	sand.u32 $0x1, s1  }
0x8c: {  	s17 =	sshll.u32 s0, $0xA;
	s2 =	sadd.s32 s3, s2  }
0x8d: {  	s2 =	sadd.s32 s2, s17  }
0x8e: {  	[smem:$0x3FC3] =	sst s2  }
0x8f: {  	_ = 	snop  }
0x90: {  	s2 =	sld [smem:$0x3FD0];
	(tm) =	ssettm $0x1  }
0x91: {  	s18 =	sld [smem:$0x3FFB];
	_ =	sdelay $0x3  }
0x92: {  	_ =	strace s18  }
0x93: {  	s3 =	sld [smem:$0x3FFC];
	_ =	sdelay $0x3  }
0x94: {  	_ =	strace s3  }
0x95: {  	s3 =	sld [smem:$0x3FFD];
	_ =	sdelay $0x3  }
0x96: {  	_ =	strace s3  }
0x97: {  	_ =	strace $0x8FFFFFFF  }
0x98: {  	s19 =	sld [smem:$0x3FDB];
	_ =	sdelay $0x1  }
0x99: {  	s4 =	simm.s32 $_scs_section_size  }
0x9a: {  	s5 =	simm.s32 $_size__tile_overlayer_lowered;
	s6 =	simm.s32 $_tile_overlayer_lowered  }
0x9b: {  	s22 =	simm.s32 $0x1BFF;
	s21 =	sshll.u32 s6, $0x1;
	s3 =	sadd.s32 s4, s19  }
0x9c: {  	s7 =	simm.s32 $0x0;
	s20 =	sshll.u32 s5, $0x1;
	s5 =	sadd.s32 s21, s3  }
0x9d: {  	[timem:s7], [sflag:s22] =	dma.local [hbm:s5], s20  }
0x9e: {  	_ =	swait.ge [sflag:s22], s20  }
0x9f: {  	s4 =	ssub.s32 $0x0, s20;
	[sflag:s22] =	ssyncset.done $0x0  }
0xa0: {  	[sflag:s22] =	ssyncadd.s32 s4;
	_ =	sdelay $0x1  }
0xa1: {  	s23 =	simm.s32 $0x1B8B  }
0xa2: {  	_ =	swait.ge [sflag:s23], $0x1  }
0xa3: {  	[sflag:s23] =	ssyncset.done $0x0  }
0xa4: {  	s25 =	simm.s32 $0x1B8E;
	s24 =	sld [smem:$0x3FFE];
	[sflag:s23] =	ssyncadd.s32 $0xFFFFFFFF  }
0xa5: {  	s26 =	simm.s32 $execute0_lowered;
	[smem:$0x3FD2] =	sst s25  }
0xa6: {  	s5 =	sshll.u32 s26, $0x1;
	_ =	strace $0x80000049;
	[dreg:$0x1] =	wrdreg $0xFFFFFFFF  }
0xa7: {  	s28 =	simm.s32 $_size_execute0_lowered;
	s3 =	sadd.s32 s3, s5;
	[dreg:$0x0] =	wrdreg $0x0  }
0xa8: {  	s5 =	sshll.u32 s28, $0x1;
	[dreg:$0x2] =	wrdreg s3  }
0xa9: {  	[dreg:$0x3] =	wrdreg s5  }
0xaa: {  	[dreg:$0x4] =	wrdreg $0xC0  }
0xab: {  	_ =	task [dreg:s7], $0x5FFFF  }
0xac: {  	[dreg:$0x1] =	wrdreg $0xFFFFFFFF  }
0xad: {  	[dreg:$0x0] =	wrdreg $0x60  }
0xae: {  	[dreg:$0x2] =	wrdreg s24  }
0xaf: {  	[dreg:$0x3] =	wrdreg s2  }
0xb0: {  	[dreg:$0x4] =	wrdreg $0x9  }
0xb1: {  	_ =	task.clear_ibuf [dreg:s7], $0x5FFFF;
	_ =	strace $0x90000049  }
0xb2: {  	s29 =	simm.s32 $0x9;
	_ =	strace $0x8000004B  }
0xb3: {  	_ =	swait.ge [sflag:s29], $0x1  }
0xb4: {  	[sflag:s29] =	ssyncadd.s32 $0xFFFFFFFF  }
0xb5: {  	_ =	strace $0x9000004B  }
0xb6: {  	_ =	sfence  }
0xb7: {  	s30 =	sld [smem:$0x0];
	_ =	sdelay $0x2  }
0xb8: {  	s31 =	sshll.u32 s1, $0xD;
	s1 =	sshrl.u32 s1, $0x2  }
0xb9: {  	s3 =	sand.u32 $0x4000, s31;
	s1 =	sadd.s32 s1, s30  }
0xba: {  	s0 =	sor.u32 s3, s0;
	s1 =	sshll.u32 s1, $0x11  }
0xbb: {  	s0 =	sor.u32 s1, s0  }
0xbc: {  	s0 =	sadd.s32 $0x8F2B, s0  }
0xbd: {  	[sflag:s0] =	ssyncadd.remote.s32 $0x1  }
0xbe: {  	_ =	sfence.sel $0xFFFF  }
0xbf: {  	[dreg:$0x0] =	wrdreg $0xFFFFFFFF;
	(pc) =	sbr.abs _section_cstart, $3  }
0xc0: {  	[dreg:$0x1] =	wrdreg $0xFFFFFFFF  }
0xc1: {  	_ =	task.clear_ibuf [dreg:s7], $0x2FFFF;
	_ =	strace $0x9FFFFFFF  }
0xc2: {  	(tm) =	ssettm $0x7FFFFFFF  }
0xc3: {  	_ =	shalt  }
tec
execute0_lowered:
.L_overlay_start_1:
0x0: {  	(tag) =	ssettag $0x1  }
0x1: {  	s0 =	rddreg [dreg:$0x0]  }
0x2: {  	s2 =	rddreg [dreg:$0x1];
	s1 =	simm.s32 $0x0  }
0x3: {  	s5 =	srdreg.scid;
	s8 =	stileid.u32;
	s15 =	simm.s32 $0xC100  }
0x4: {  	s16 =	simm.s32 $0xD900;
	s17 =	simm.s32 $0xE900;
	s28 =	simm.s32 $0x11100  }
0x5: {  	s29 =	simm.s32 $0x11900;
	s30 =	simm.s32 $0x1;
	s31 =	simm.s32 $0x2  }
0x6: {  	[smem:$0x7FF] =	sst s1;
	s3 =	sadd.s32 $0x11A00, s0;
	s4 =	sadd.s32 $0x1600, s0  }
0x7: {  	s6 =	sadd.s32 $0x1800, s0;
	s5 =	sand.u32 $0x1, s5;
	s8 =	sshll.u32 s8, $0x7  }
0x8: {  	s11 =	sadd.s32 $0x1A00, s0;
	s12 =	sadd.s32 $0x9A00, s0;
	s7 =	ssub.s32 $0x2, s5  }
0x9: {  	s10 =	sadd.s32 $0x11D00, s0;
	s5 =	sshll.u32 s5, $0x6;
	s9 =	sshrl.u32 s7, $0x1  }
0xa: {  	_ =	strace $0x8000004A;
	s5 =	sor.u32 s5, s8;
	s7 =	ssub.s32 s7, s9  }
0xb: {  	s8 =	sshrl.u32 s5, $0x3;
	s19 =	sshll.u32 s5, $0x4;
	s9 =	sadd.s32 $0x11C00, s0  }
0xc: {  	s13 =	sshll.u32 s5, $0x7;
	s5 =	sor.u32 $0x20, s5;
	s18 =	sadd.s32 s4, s8  }
0xd: {  	s8 =	sadd.s32 s6, s8;
	s20 =	sadd.s32 s11, s19;
	[dreg:$0x3] =	wrdreg s18  }
0xe: {  	s21 =	sadd.s32 s2, s13;
	s22 =	sshrl.u32 s5, $0x3;
	[dreg:$0x4] =	wrdreg s8  }
0xf: {  	s23 =	sshll.u32 s5, $0x4;
	s25 =	sshll.u32 s5, $0x7;
	[dreg:$0x5] =	wrdreg s20  }
0x10: {  	s26 =	smax.u32 s7, $0x1;
	s8 =	sadd.s32 s12, s19;
	[dreg:$0x7] =	wrdreg s21  }
0x11: {  	s4 =	sadd.s32 s4, s22;
	s24 =	sadd.s32 s11, s23;
	[dreg:$0xd] =	wrdreg s26  }
0x12: {  	s18 =	simm.s32 $0x3;
	s19 =	simm.s32 $0x80;
	s20 =	simm.s32 $0xC900  }
0x13: {  	s21 =	simm.s32 $0xD100;
	s26 =	simm.s32 $0x10900;
	[dreg:$0x6] =	wrdreg s8  }
0x14: {  	s8 =	sadd.s32 $0x11B00, s0;
	[dreg:$0x8] =	wrdreg s4;
	s0 =	sadd.s32 s6, s22  }
0x15: {  	[dreg:$0xa] =	wrdreg s24;
	s22 =	simm.s32 $0xE100;
	s24 =	simm.s32 $0xF900  }
0x16: {  	v2 =	vlaneseq.u32;
	[dreg:$0x9] =	wrdreg s0;
	s0 =	sadd.s32 s12, s23;
	s23 =	simm.s32 $0xF100  }
0x17: {  	vm0 =	vmmov $0xffff;
	v1 =	vshrl.u32 v2, $0x3;
	[dreg:$0xb] =	wrdreg s0;
	s0 =	sadd.s32 s2, s25;
	s25 =	simm.s32 $0x10100  }
0x18: {  	v0 =	vand.u32 $0x7, v2;
	v2 =	vor.u32 $0x8, v2;
	v1 =	vmul.u32 $0x8, v1;
	s2 =	simm.s32 $0x0;
	[dreg:$0xc] =	wrdreg s0;
	s0 =	simm.s32 $0x12100  }
.LBB2_1:
0x19: {  	s4 =	rddreg [dreg:$0x3]  }
0x1a: {  	[tilespmem:s1], [sflag:$0x3] =	stream.linear.gather [hbm4b:s4+s1], $0x20, $0x38;
	[tilespmem:$0x1A100] =	vst v63  }
0x1b: {  	_ =	swait.ge [sflag:s18], $0x20  }
0x1c: {  	[sflag:s18] =	ssyncset.done $0x0  }
0x1d: {  	s11 =	rddreg [dreg:$0x4];
	[sflag:s18] =	ssyncadd.s32 $0xFFFFFFE0  }
0x1e: {  	[tilespmem:s19], [sflag:$0x3] =	stream.linear.gather [hbm4b:s11+s1], $0x20, $0x38;
	[tilespmem:$0x1A100] =	vst v63  }
0x1f: {  	_ =	swait.ge [sflag:s18], $0x20  }
0x20: {  	[sflag:s18] =	ssyncset.done $0x0  }
0x21: {  	s5 =	simm.s32 $0x100;
	s12 =	rddreg [dreg:$0x5];
	[sflag:s18] =	ssyncadd.s32 $0xFFFFFFE0  }
0x22: {  	[tilespmem:s5], [sflag:$0x3] =	stream.linear.gather [hbm4b:s12+s1], $0x1000, $0x38;
	[tilespmem:$0x1A100] =	vst v63  }
0x23: {  	_ =	swait.ge [sflag:s18], $0x1000  }
0x24: {  	[sflag:s18] =	ssyncset.done $0x0  }
0x25: {  	s14 =	simm.s32 $0x1100;
	s13 =	rddreg [dreg:$0x6];
	[sflag:s18] =	ssyncadd.s32 $0xFFFFF000  }
0x26: {  	[tilespmem:s14], [sflag:$0x3] =	stream.linear.gather [hbm4b:s13+s1], $0x1000, $0x38;
	[tilespmem:$0x1A100] =	vst v63  }
0x27: {  	_ =	swait.ge [sflag:s18], $0x1000  }
0x28: {  	[sflag:s18] =	ssyncset.done $0x0  }
0x29: {  	[sflag:s18] =	ssyncadd.s32 $0xFFFFF000  }
0x2a: {  	v3 =	vld [tilespmem:$0x0];
	_ =	sdelay $0x4  }
0x2b: {  	v4 =	vshll.u32 v3, $0x3  }
0x2c: {  	v3 =	vand.u32 $0x7, v3;
	v4 =	vand.u32 $0xFFFFFFC0, v4  }
0x2d: {  	v3 =	vor.u32 v3, v4  }
0x2e: {  	v4 =	vperm.xlane v3, v0;
	_ =	sdelay $0x1  }
0x2f: {  	v4 =	vadd.s32 v1, v4;
	_ =	sdelay $0x3  }
0x30: {  	s6 =	simm.s32 $0x2100  }
0x31: {  	[tilespmem:s6], [sflag:$0x1] =	stream.indirect_vreg.gather [hbm4b:s3+s1], $0x80, v4, vm0, $0xb8;
	[tilespmem:$0x1A100] =	vst v63  }
0x32: {  	s7 =	simm.s32 $0x2900;
	v3 =	vperm.xlane v3, v2  }
0x33: {  	[tilespmem:s7], [sflag:$0x1] =	stream.indirect_vreg.gather [hbm4b:s8+s1], $0x80, v4, vm0, $0xb8;
	[tilespmem:$0x1A100] =	vst v63  }
0x34: {  	s11 =	simm.s32 $0x3100;
	v3 =	vadd.s32 v1, v3  }
0x35: {  	[tilespmem:s11], [sflag:$0x1] =	stream.indirect_vreg.gather [hbm4b:s9+s1], $0x80, v4, vm0, $0xb8;
	[tilespmem:$0x1A100] =	vst v63  }
0x36: {  	s12 =	simm.s32 $0x3900  }
0x37: {  	[tilespmem:s12], [sflag:$0x1] =	stream.indirect_vreg.gather [hbm4b:s10+s1], $0x80, v4, vm0, $0xb8;
	[tilespmem:$0x1A100] =	vst v63  }
0x38: {  	s13 =	simm.s32 $0x4100  }
0x39: {  	[tilespmem:s13], [sflag:$0x1] =	stream.indirect_vreg.gather [hbm4b:s3+s1], $0x80, v3, vm0, $0xb8;
	[tilespmem:$0x1A100] =	vst v63  }
0x3a: {  	s14 =	simm.s32 $0x4900  }
0x3b: {  	[tilespmem:s14], [sflag:$0x1] =	stream.indirect_vreg.gather [hbm4b:s8+s1], $0x80, v3, vm0, $0xb8;
	[tilespmem:$0x1A100] =	vst v63  }
0x3c: {  	s5 =	simm.s32 $0x5100  }
0x3d: {  	[tilespmem:s5], [sflag:$0x1] =	stream.indirect_vreg.gather [hbm4b:s9+s1], $0x80, v3, vm0, $0xb8;
	[tilespmem:$0x1A100] =	vst v63  }
0x3e: {  	s6 =	simm.s32 $0x5900  }
0x3f: {  	[tilespmem:s6], [sflag:$0x1] =	stream.indirect_vreg.gather [hbm4b:s10+s1], $0x80, v3, vm0, $0xb8;
	[tilespmem:$0x1A100] =	vst v63  }
0x40: {  	v3 =	vld [tilespmem:$0x10];
	_ =	sdelay $0x4  }
0x41: {  	v61 =	vshll.u32 v3, $0x3  }
0x42: {  	v3 =	vand.u32 $0x7, v3;
	v4 =	vand.u32 $0xFFFFFFC0, v61  }
0x43: {  	v3 =	vor.u32 v3, v4  }
0x44: {  	v4 =	vperm.xlane v3, v0;
	_ =	sdelay $0x1  }
0x45: {  	v4 =	vadd.s32 v1, v4;
	_ =	sdelay $0x3  }
0x46: {  	s7 =	simm.s32 $0x6100  }
0x47: {  	[tilespmem:s7], [sflag:$0x1] =	stream.indirect_vreg.gather [hbm4b:s3+s1], $0x80, v4, vm0, $0xb8;
	[tilespmem:$0x1A100] =	vst v63  }
0x48: {  	s11 =	simm.s32 $0x6900;
	v3 =	vperm.xlane v3, v2  }
0x49: {  	[tilespmem:s11], [sflag:$0x1] =	stream.indirect_vreg.gather [hbm4b:s8+s1], $0x80, v4, vm0, $0xb8;
	[tilespmem:$0x1A100] =	vst v63  }
0x4a: {  	s12 =	simm.s32 $0x7100;
	v3 =	vadd.s32 v1, v3  }
0x4b: {  	[tilespmem:s12], [sflag:$0x1] =	stream.indirect_vreg.gather [hbm4b:s9+s1], $0x80, v4, vm0, $0xb8;
	[tilespmem:$0x1A100] =	vst v63  }
0x4c: {  	s13 =	simm.s32 $0x7900  }
0x4d: {  	[tilespmem:s13], [sflag:$0x1] =	stream.indirect_vreg.gather [hbm4b:s10+s1], $0x80, v4, vm0, $0xb8;
	[tilespmem:$0x1A100] =	vst v63  }
0x4e: {  	s14 =	simm.s32 $0x8100  }
0x4f: {  	[tilespmem:s14], [sflag:$0x1] =	stream.indirect_vreg.gather [hbm4b:s3+s1], $0x80, v3, vm0, $0xb8;
	[tilespmem:$0x1A100] =	vst v63  }
0x50: {  	s5 =	simm.s32 $0x8900  }
0x51: {  	[tilespmem:s5], [sflag:$0x1] =	stream.indirect_vreg.gather [hbm4b:s8+s1], $0x80, v3, vm0, $0xb8;
	[tilespmem:$0x1A100] =	vst v63  }
0x52: {  	s6 =	simm.s32 $0x9100  }
0x53: {  	[tilespmem:s6], [sflag:$0x1] =	stream.indirect_vreg.gather [hbm4b:s9+s1], $0x80, v3, vm0, $0xb8;
	[tilespmem:$0x1A100] =	vst v63  }
0x54: {  	s7 =	simm.s32 $0x9900  }
0x55: {  	[tilespmem:s7], [sflag:$0x1] =	stream.indirect_vreg.gather [hbm4b:s10+s1], $0x80, v3, vm0, $0xb8;
	[tilespmem:$0x1A100] =	vst v63  }
0x56: {  	v3 =	vld [tilespmem:$0x80];
	_ =	sdelay $0x4  }
0x57: {  	v62 =	vshll.u32 v3, $0x3  }
0x58: {  	v3 =	vand.u32 $0x7, v3;
	v4 =	vand.u32 $0xFFFFFFC0, v62  }
0x59: {  	v3 =	vor.u32 v3, v4  }
0x5a: {  	v4 =	vperm.xlane v3, v0;
	_ =	sdelay $0x1  }
0x5b: {  	v4 =	vadd.s32 v1, v4;
	_ =	sdelay $0x3  }
0x5c: {  	s11 =	simm.s32 $0xA100  }
0x5d: {  	[tilespmem:s11], [sflag:$0x2] =	stream.indirect_vreg.gather [hbm4b:s3+s1], $0x80, v4, vm0, $0xb8;
	[tilespmem:$0x1A100] =	vst v63  }
0x5e: {  	s12 =	simm.s32 $0xA900;
	v3 =	vperm.xlane v3, v2  }
0x5f: {  	[tilespmem:s12], [sflag:$0x2] =	stream.indirect_vreg.gather [hbm4b:s8+s1], $0x80, v4, vm0, $0xb8;
	[tilespmem:$0x1A100] =	vst v63  }
0x60: {  	s13 =	simm.s32 $0xB100;
	v3 =	vadd.s32 v1, v3  }
0x61: {  	[tilespmem:s13], [sflag:$0x2] =	stream.indirect_vreg.gather [hbm4b:s9+s1], $0x80, v4, vm0, $0xb8;
	[tilespmem:$0x1A100] =	vst v63  }
0x62: {  	s14 =	simm.s32 $0xB900  }
0x63: {  	[tilespmem:s14], [sflag:$0x2] =	stream.indirect_vreg.gather [hbm4b:s10+s1], $0x80, v4, vm0, $0xb8;
	[tilespmem:$0x1A100] =	vst v63  }
0x64: {  	_ = 	snop  }
0x65: {  	[tilespmem:s15], [sflag:$0x2] =	stream.indirect_vreg.gather [hbm4b:s3+s1], $0x80, v3, vm0, $0xb8;
	[tilespmem:$0x1A100] =	vst v63  }
0x66: {  	_ = 	snop  }
0x67: {  	[tilespmem:s20], [sflag:$0x2] =	stream.indirect_vreg.gather [hbm4b:s8+s1], $0x80, v3, vm0, $0xb8;
	[tilespmem:$0x1A100] =	vst v63  }
0x68: {  	_ = 	snop  }
0x69: {  	[tilespmem:s21], [sflag:$0x2] =	stream.indirect_vreg.gather [hbm4b:s9+s1], $0x80, v3, vm0, $0xb8;
	[tilespmem:$0x1A100] =	vst v63  }
0x6a: {  	_ = 	snop  }
0x6b: {  	[tilespmem:s16], [sflag:$0x2] =	stream.indirect_vreg.gather [hbm4b:s10+s1], $0x80, v3, vm0, $0xb8;
	[tilespmem:$0x1A100] =	vst v63  }
0x6c: {  	v3 =	vld [tilespmem:$0x90];
	_ =	sdelay $0x4  }
0x6d: {  	v63 =	vshll.u32 v3, $0x3  }
0x6e: {  	v3 =	vand.u32 $0x7, v3;
	v4 =	vand.u32 $0xFFFFFFC0, v63  }
0x6f: {  	v3 =	vor.u32 v3, v4  }
0x70: {  	v4 =	vperm.xlane v3, v0;
	_ =	sdelay $0x1  }
0x71: {  	v4 =	vadd.s32 v1, v4;
	_ =	sdelay $0x4  }
0x72: {  	[tilespmem:s22], [sflag:$0x2] =	stream.indirect_vreg.gather [hbm4b:s3+s1], $0x80, v4, vm0, $0xb8;
	[tilespmem:$0x1A100] =	vst v63  }
0x73: {  	v3 =	vperm.xlane v3, v2  }
0x74: {  	[tilespmem:s17], [sflag:$0x2] =	stream.indirect_vreg.gather [hbm4b:s8+s1], $0x80, v4, vm0, $0xb8;
	[tilespmem:$0x1A100] =	vst v63  }
0x75: {  	v3 =	vadd.s32 v1, v3  }
0x76: {  	[tilespmem:s23], [sflag:$0x2] =	stream.indirect_vreg.gather [hbm4b:s9+s1], $0x80, v4, vm0, $0xb8;
	[tilespmem:$0x1A100] =	vst v63  }
0x77: {  	_ = 	snop  }
0x78: {  	[tilespmem:s24], [sflag:$0x2] =	stream.indirect_vreg.gather [hbm4b:s10+s1], $0x80, v4, vm0, $0xb8;
	[tilespmem:$0x1A100] =	vst v63  }
0x79: {  	_ = 	snop  }
0x7a: {  	[tilespmem:s25], [sflag:$0x2] =	stream.indirect_vreg.gather [hbm4b:s3+s1], $0x80, v3, vm0, $0xb8;
	[tilespmem:$0x1A100] =	vst v63  }
0x7b: {  	_ = 	snop  }
0x7c: {  	[tilespmem:s26], [sflag:$0x2] =	stream.indirect_vreg.gather [hbm4b:s8+s1], $0x80, v3, vm0, $0xb8;
	[tilespmem:$0x1A100] =	vst v63  }
0x7d: {  	_ = 	snop  }
0x7e: {  	[tilespmem:s28], [sflag:$0x2] =	stream.indirect_vreg.gather [hbm4b:s9+s1], $0x80, v3, vm0, $0xb8;
	[tilespmem:$0x1A100] =	vst v63  }
0x7f: {  	_ = 	snop  }
0x80: {  	[tilespmem:s29], [sflag:$0x2] =	stream.indirect_vreg.gather [hbm4b:s10+s1], $0x80, v3, vm0, $0xb8;
	[tilespmem:$0x1A100] =	vst v63  }
0x81: {  	_ =	swait.ge [sflag:s30], $0x8000  }
0x82: {  	[sflag:s30] =	ssyncset.done $0x0  }
0x83: {  	[sflag:s30] =	ssyncadd.s32 $0xFFFF8000  }
0x84: {  	_ =	swait.ge [sflag:s31], $0x8000  }
0x85: {  	[sflag:s31] =	ssyncset.done $0x0  }
0x86: {  	s4 =	simm.s32 $0x0;
	[sflag:s31] =	ssyncadd.s32 $0xFFFF8000  }
.LBB2_2:
0x87: {  	s6 =	sshll.u32 s4, $0x7;
	s5 =	sshll.u32 s4, $0xA  }
0x88: {  	s11 =	simm.s32 $0x0;
	s5 =	sand.u32 $0x6000, s5;
	s7 =	sand.u32 $0x380, s6  }
0x89: {  	s12 =	sand.u32 $0x1C00, s11;
	s5 =	sor.u32 s5, s7  }
0x8a: {  	v3 =	vld [tilespmem:s6+$0x100];
	s11 =	sand.u32 $0x70, s11;
	s7 =	sor.u32 s12, s5  }
0x8b: {  	v4 =	vld [tilespmem:s6+$0x1100];
	s6 =	sor.u32 s11, s7  }
0x8c: {  	v5 =	vld [tilespmem:s6+$0x2100]  }
0x8d: {  	v6 =	vld [tilespmem:s6+$0xA100]  }
0x8e: {  	s13 =	simm.s32 $0x80  }
0x8f: {  	s14 =	simm.s32 $0x10;
	s7 =	sand.u32 $0x1C00, s13  }
0x90: {  	s11 =	sand.u32 $0x70, s14;
	s7 =	sor.u32 s7, s5  }
0x91: {  	s7 =	sor.u32 s11, s7  }
0x92: {  	v7 =	vmul.f32 v5, v3;
	v8 =	vmul.f32 v6, v4;
	v5 =	vld [tilespmem:s7+$0x2100]  }
0x93: {  	v6 =	vld [tilespmem:s7+$0xA100]  }
0x94: {  	s12 =	simm.s32 $0x100;
	s11 =	simm.s32 $0x20;
	v7 =	vadd.f32 v8, v7  }
.LBB2_3:
0x95: {  	s13 =	sand.u32 $0x70, s11;
	s14 =	sand.u32 $0x1C00, s12;
	p0 =	sne.s32 s11, $0x3F0  }
.Ltmp0:
0x96: {  	s11 =	sadd.s32 $0x10, s11;
	s14 =	sor.u32 s14, s5;
	[tilespmem:s6+$0x12100] =	vst v7;
	(pc) =	sbr.rel @p0 .LBB2_3-.Ltmp0, $4  }
0x97: {  	s6 =	smov.u32 s7;
	s7 =	sor.u32 s13, s14  }
0x98: {  	v7 =	vmul.f32 v5, v3;
	v5 =	vld [tilespmem:s7+$0x2100];
	v8 =	vmul.f32 v6, v4  }
0x99: {  	v6 =	vld [tilespmem:s7+$0xA100]  }
0x9a: {  	s12 =	sadd.s32 $0x80, s12;
	v7 =	vadd.f32 v8, v7  }
0x9b: {  	_ = 	snop  }
0x9c: {  	s4 =	sadd.s32 $0x1, s4  }
0x9d: {  	p0 =	sne.s32 s4, $0x20  }
.Ltmp1:
0x9e: {  	v3 =	vmul.f32 v5, v3;
	v4 =	vmul.f32 v6, v4;
	(pc) =	sbr.rel @p0 .LBB2_2-.Ltmp1, $4  }
0x9f: {  	_ = 	snop  }
0xa0: {  	v3 =	vadd.f32 v4, v3  }
0xa1: {  	[tilespmem:s6+$0x12100] =	vst v7  }
0xa2: {  	[tilespmem:s7+$0x12100] =	vst v3  }
0xa3: {  	s4 =	simm.s32 $0x0;
	s5 =	rddreg [dreg:$0x7]  }
0xa4: {  	[hbm4b:s5+s4] =	stream.linear.scatter [tilespmem:s0], [sflag:$0x3], $0x8000, $0x38;
	[tilespmem:$0x1A100] =	vst v63  }
0xa5: {  	_ =	swait.ge [sflag:s18], $0x8000  }
0xa6: {  	[sflag:s18] =	ssyncset.done $0x0  }
0xa7: {  	s11 =	rddreg [dreg:$0x8];
	[sflag:s18] =	ssyncadd.s32 $0xFFFF8000  }
0xa8: {  	[tilespmem:s4], [sflag:$0x3] =	stream.linear.gather [hbm4b:s11+s4], $0x20, $0x38;
	[tilespmem:$0x1A100] =	vst v63  }
0xa9: {  	_ =	swait.ge [sflag:s18], $0x20  }
0xaa: {  	[sflag:s18] =	ssyncset.done $0x0  }
0xab: {  	s12 =	rddreg [dreg:$0x9];
	[sflag:s18] =	ssyncadd.s32 $0xFFFFFFE0  }
0xac: {  	[tilespmem:s19], [sflag:$0x3] =	stream.linear.gather [hbm4b:s12+s4], $0x20, $0x38;
	[tilespmem:$0x1A100] =	vst v63  }
0xad: {  	_ =	swait.ge [sflag:s18], $0x20  }
0xae: {  	[sflag:s18] =	ssyncset.done $0x0  }
0xaf: {  	s6 =	simm.s32 $0x100;
	s13 =	rddreg [dreg:$0xa];
	[sflag:s18] =	ssyncadd.s32 $0xFFFFFFE0  }
0xb0: {  	[tilespmem:s6], [sflag:$0x3] =	stream.linear.gather [hbm4b:s13+s4], $0x1000, $0x38;
	[tilespmem:$0x1A100] =	vst v63  }
0xb1: {  	_ =	swait.ge [sflag:s18], $0x1000  }
0xb2: {  	[sflag:s18] =	ssyncset.done $0x0  }
0xb3: {  	s19 =	simm.s32 $0x1100;
	s14 =	rddreg [dreg:$0xb];
	[sflag:s18] =	ssyncadd.s32 $0xFFFFF000  }
0xb4: {  	[tilespmem:s19], [sflag:$0x3] =	stream.linear.gather [hbm4b:s14+s4], $0x1000, $0x38;
	[tilespmem:$0x1A100] =	vst v63  }
0xb5: {  	_ =	swait.ge [sflag:s18], $0x1000  }
0xb6: {  	[sflag:s18] =	ssyncset.done $0x0  }
0xb7: {  	[sflag:s18] =	ssyncadd.s32 $0xFFFFF000  }
0xb8: {  	v3 =	vld [tilespmem:$0x0];
	_ =	sdelay $0x4  }
0xb9: {  	v4 =	vshll.u32 v3, $0x3  }
0xba: {  	v3 =	vand.u32 $0x7, v3;
	v4 =	vand.u32 $0xFFFFFFC0, v4  }
0xbb: {  	v3 =	vor.u32 v3, v4  }
0xbc: {  	v4 =	vperm.xlane v3, v0;
	_ =	sdelay $0x1  }
0xbd: {  	v4 =	vadd.s32 v1, v4;
	_ =	sdelay $0x3  }
0xbe: {  	s7 =	simm.s32 $0x2100  }
0xbf: {  	[tilespmem:s7], [sflag:$0x1] =	stream.indirect_vreg.gather [hbm4b:s3+s4], $0x80, v4, vm0, $0xb8;
	[tilespmem:$0x1A100] =	vst v63  }
0xc0: {  	s11 =	simm.s32 $0x2900;
	v3 =	vperm.xlane v3, v2  }
0xc1: {  	[tilespmem:s11], [sflag:$0x1] =	stream.indirect_vreg.gather [hbm4b:s8+s4], $0x80, v4, vm0, $0xb8;
	[tilespmem:$0x1A100] =	vst v63  }
0xc2: {  	s12 =	simm.s32 $0x3100;
	v3 =	vadd.s32 v1, v3  }
0xc3: {  	[tilespmem:s12], [sflag:$0x1] =	stream.indirect_vreg.gather [hbm4b:s9+s4], $0x80, v4, vm0, $0xb8;
	[tilespmem:$0x1A100] =	vst v63  }
0xc4: {  	s13 =	simm.s32 $0x3900  }
0xc5: {  	[tilespmem:s13], [sflag:$0x1] =	stream.indirect_vreg.gather [hbm4b:s10+s4], $0x80, v4, vm0, $0xb8;
	[tilespmem:$0x1A100] =	vst v63  }
0xc6: {  	s14 =	simm.s32 $0x4100  }
0xc7: {  	[tilespmem:s14], [sflag:$0x1] =	stream.indirect_vreg.gather [hbm4b:s3+s4], $0x80, v3, vm0, $0xb8;
	[tilespmem:$0x1A100] =	vst v63  }
0xc8: {  	s19 =	simm.s32 $0x4900  }
0xc9: {  	[tilespmem:s19], [sflag:$0x1] =	stream.indirect_vreg.gather [hbm4b:s8+s4], $0x80, v3, vm0, $0xb8;
	[tilespmem:$0x1A100] =	vst v63  }
0xca: {  	s6 =	simm.s32 $0x5100  }
0xcb: {  	[tilespmem:s6], [sflag:$0x1] =	stream.indirect_vreg.gather [hbm4b:s9+s4], $0x80, v3, vm0, $0xb8;
	[tilespmem:$0x1A100] =	vst v63  }
0xcc: {  	s7 =	simm.s32 $0x5900  }
0xcd: {  	[tilespmem:s7], [sflag:$0x1] =	stream.indirect_vreg.gather [hbm4b:s10+s4], $0x80, v3, vm0, $0xb8;
	[tilespmem:$0x1A100] =	vst v63  }
0xce: {  	v3 =	vld [tilespmem:$0x10];
	_ =	sdelay $0x4  }
0xcf: {  	v61 =	vshll.u32 v3, $0x3  }
0xd0: {  	v3 =	vand.u32 $0x7, v3;
	v4 =	vand.u32 $0xFFFFFFC0, v61  }
0xd1: {  	v3 =	vor.u32 v3, v4  }
0xd2: {  	v4 =	vperm.xlane v3, v0;
	_ =	sdelay $0x1  }
0xd3: {  	v4 =	vadd.s32 v1, v4;
	_ =	sdelay $0x3  }
0xd4: {  	s11 =	simm.s32 $0x6100  }
0xd5: {  	[tilespmem:s11], [sflag:$0x1] =	stream.indirect_vreg.gather [hbm4b:s3+s4], $0x80, v4, vm0, $0xb8;
	[tilespmem:$0x1A100] =	vst v63  }
0xd6: {  	s12 =	simm.s32 $0x6900;
	v3 =	vperm.xlane v3, v2  }
0xd7: {  	[tilespmem:s12], [sflag:$0x1] =	stream.indirect_vreg.gather [hbm4b:s8+s4], $0x80, v4, vm0, $0xb8;
	[tilespmem:$0x1A100] =	vst v63  }
0xd8: {  	s13 =	simm.s32 $0x7100;
	v3 =	vadd.s32 v1, v3  }
0xd9: {  	[tilespmem:s13], [sflag:$0x1] =	stream.indirect_vreg.gather [hbm4b:s9+s4], $0x80, v4, vm0, $0xb8;
	[tilespmem:$0x1A100] =	vst v63  }
0xda: {  	s14 =	simm.s32 $0x7900  }
0xdb: {  	[tilespmem:s14], [sflag:$0x1] =	stream.indirect_vreg.gather [hbm4b:s10+s4], $0x80, v4, vm0, $0xb8;
	[tilespmem:$0x1A100] =	vst v63  }
0xdc: {  	s19 =	simm.s32 $0x8100  }
0xdd: {  	[tilespmem:s19], [sflag:$0x1] =	stream.indirect_vreg.gather [hbm4b:s3+s4], $0x80, v3, vm0, $0xb8;
	[tilespmem:$0x1A100] =	vst v63  }
0xde: {  	s6 =	simm.s32 $0x8900  }
0xdf: {  	[tilespmem:s6], [sflag:$0x1] =	stream.indirect_vreg.gather [hbm4b:s8+s4], $0x80, v3, vm0, $0xb8;
	[tilespmem:$0x1A100] =	vst v63  }
0xe0: {  	s7 =	simm.s32 $0x9100  }
0xe1: {  	[tilespmem:s7], [sflag:$0x1] =	stream.indirect_vreg.gather [hbm4b:s9+s4], $0x80, v3, vm0, $0xb8;
	[tilespmem:$0x1A100] =	vst v63  }
0xe2: {  	s11 =	simm.s32 $0x9900  }
0xe3: {  	[tilespmem:s11], [sflag:$0x1] =	stream.indirect_vreg.gather [hbm4b:s10+s4], $0x80, v3, vm0, $0xb8;
	[tilespmem:$0x1A100] =	vst v63  }
0xe4: {  	v3 =	vld [tilespmem:$0x80];
	_ =	sdelay $0x4  }
0xe5: {  	v62 =	vshll.u32 v3, $0x3  }
0xe6: {  	v3 =	vand.u32 $0x7, v3;
	v4 =	vand.u32 $0xFFFFFFC0, v62  }
0xe7: {  	v3 =	vor.u32 v3, v4  }
0xe8: {  	v4 =	vperm.xlane v3, v0;
	_ =	sdelay $0x1  }
0xe9: {  	v4 =	vadd.s32 v1, v4;
	_ =	sdelay $0x3  }
0xea: {  	s12 =	simm.s32 $0xA100  }
0xeb: {  	[tilespmem:s12], [sflag:$0x2] =	stream.indirect_vreg.gather [hbm4b:s3+s4], $0x80, v4, vm0, $0xb8;
	[tilespmem:$0x1A100] =	vst v63  }
0xec: {  	s13 =	simm.s32 $0xA900;
	v3 =	vperm.xlane v3, v2  }
0xed: {  	[tilespmem:s13], [sflag:$0x2] =	stream.indirect_vreg.gather [hbm4b:s8+s4], $0x80, v4, vm0, $0xb8;
	[tilespmem:$0x1A100] =	vst v63  }
0xee: {  	s14 =	simm.s32 $0xB100;
	v3 =	vadd.s32 v1, v3  }
0xef: {  	[tilespmem:s14], [sflag:$0x2] =	stream.indirect_vreg.gather [hbm4b:s9+s4], $0x80, v4, vm0, $0xb8;
	[tilespmem:$0x1A100] =	vst v63  }
0xf0: {  	s19 =	simm.s32 $0xB900  }
0xf1: {  	[tilespmem:s19], [sflag:$0x2] =	stream.indirect_vreg.gather [hbm4b:s10+s4], $0x80, v4, vm0, $0xb8;
	[tilespmem:$0x1A100] =	vst v63  }
0xf2: {  	_ = 	snop  }
0xf3: {  	[tilespmem:s15], [sflag:$0x2] =	stream.indirect_vreg.gather [hbm4b:s3+s4], $0x80, v3, vm0, $0xb8;
	[tilespmem:$0x1A100] =	vst v63  }
0xf4: {  	_ = 	snop  }
0xf5: {  	[tilespmem:s20], [sflag:$0x2] =	stream.indirect_vreg.gather [hbm4b:s8+s4], $0x80, v3, vm0, $0xb8;
	[tilespmem:$0x1A100] =	vst v63  }
0xf6: {  	_ = 	snop  }
0xf7: {  	[tilespmem:s21], [sflag:$0x2] =	stream.indirect_vreg.gather [hbm4b:s9+s4], $0x80, v3, vm0, $0xb8;
	[tilespmem:$0x1A100] =	vst v63  }
0xf8: {  	_ = 	snop  }
0xf9: {  	[tilespmem:s16], [sflag:$0x2] =	stream.indirect_vreg.gather [hbm4b:s10+s4], $0x80, v3, vm0, $0xb8;
	[tilespmem:$0x1A100] =	vst v63  }
0xfa: {  	v3 =	vld [tilespmem:$0x90];
	_ =	sdelay $0x4  }
0xfb: {  	v63 =	vshll.u32 v3, $0x3  }
0xfc: {  	v3 =	vand.u32 $0x7, v3;
	v4 =	vand.u32 $0xFFFFFFC0, v63  }
0xfd: {  	v3 =	vor.u32 v3, v4  }
0xfe: {  	v4 =	vperm.xlane v3, v0;
	_ =	sdelay $0x1  }
0xff: {  	v4 =	vadd.s32 v1, v4;
	_ =	sdelay $0x4  }
0x100: {  	[tilespmem:s22], [sflag:$0x2] =	stream.indirect_vreg.gather [hbm4b:s3+s4], $0x80, v4, vm0, $0xb8;
	[tilespmem:$0x1A100] =	vst v63  }
0x101: {  	v3 =	vperm.xlane v3, v2  }
0x102: {  	[tilespmem:s17], [sflag:$0x2] =	stream.indirect_vreg.gather [hbm4b:s8+s4], $0x80, v4, vm0, $0xb8;
	[tilespmem:$0x1A100] =	vst v63  }
0x103: {  	v3 =	vadd.s32 v1, v3  }
0x104: {  	[tilespmem:s23], [sflag:$0x2] =	stream.indirect_vreg.gather [hbm4b:s9+s4], $0x80, v4, vm0, $0xb8;
	[tilespmem:$0x1A100] =	vst v63  }
0x105: {  	_ = 	snop  }
0x106: {  	[tilespmem:s24], [sflag:$0x2] =	stream.indirect_vreg.gather [hbm4b:s10+s4], $0x80, v4, vm0, $0xb8;
	[tilespmem:$0x1A100] =	vst v63  }
0x107: {  	_ = 	snop  }
0x108: {  	[tilespmem:s25], [sflag:$0x2] =	stream.indirect_vreg.gather [hbm4b:s3+s4], $0x80, v3, vm0, $0xb8;
	[tilespmem:$0x1A100] =	vst v63  }
0x109: {  	_ = 	snop  }
0x10a: {  	[tilespmem:s26], [sflag:$0x2] =	stream.indirect_vreg.gather [hbm4b:s8+s4], $0x80, v3, vm0, $0xb8;
	[tilespmem:$0x1A100] =	vst v63  }
0x10b: {  	_ = 	snop  }
0x10c: {  	[tilespmem:s28], [sflag:$0x2] =	stream.indirect_vreg.gather [hbm4b:s9+s4], $0x80, v3, vm0, $0xb8;
	[tilespmem:$0x1A100] =	vst v63  }
0x10d: {  	_ = 	snop  }
0x10e: {  	[tilespmem:s29], [sflag:$0x2] =	stream.indirect_vreg.gather [hbm4b:s10+s4], $0x80, v3, vm0, $0xb8;
	[tilespmem:$0x1A100] =	vst v63  }
0x10f: {  	_ =	swait.ge [sflag:s30], $0x8000  }
0x110: {  	[sflag:s30] =	ssyncset.done $0x0  }
0x111: {  	[sflag:s30] =	ssyncadd.s32 $0xFFFF8000  }
0x112: {  	_ =	swait.ge [sflag:s31], $0x8000  }
0x113: {  	[sflag:s31] =	ssyncset.done $0x0  }
0x114: {  	s5 =	simm.s32 $0x0;
	[sflag:s31] =	ssyncadd.s32 $0xFFFF8000  }
.LBB2_6:
0x115: {  	s7 =	sshll.u32 s5, $0x7;
	s6 =	sshll.u32 s5, $0xA  }
0x116: {  	s6 =	sand.u32 $0x6000, s6;
	s11 =	sand.u32 $0x380, s7  }
0x117: {  	s13 =	sand.u32 $0x1C00, s4;
	s6 =	sor.u32 s6, s11  }
0x118: {  	s12 =	sand.u32 $0x70, s4;
	v3 =	vld [tilespmem:s7+$0x100];
	s11 =	sor.u32 s13, s6  }
0x119: {  	v4 =	vld [tilespmem:s7+$0x1100];
	s7 =	sor.u32 s12, s11  }
0x11a: {  	v5 =	vld [tilespmem:s7+$0x2100]  }
0x11b: {  	v6 =	vld [tilespmem:s7+$0xA100]  }
0x11c: {  	s14 =	simm.s32 $0x80  }
0x11d: {  	s19 =	simm.s32 $0x10;
	s11 =	sand.u32 $0x1C00, s14  }
0x11e: {  	s12 =	sand.u32 $0x70, s19;
	s11 =	sor.u32 s11, s6  }
0x11f: {  	s11 =	sor.u32 s12, s11  }
0x120: {  	v7 =	vmul.f32 v5, v3;
	v8 =	vmul.f32 v6, v4;
	v5 =	vld [tilespmem:s11+$0x2100]  }
0x121: {  	v6 =	vld [tilespmem:s11+$0xA100]  }
0x122: {  	s13 =	simm.s32 $0x100;
	s12 =	simm.s32 $0x20;
	v7 =	vadd.f32 v8, v7  }
.LBB2_7:
0x123: {  	s14 =	sand.u32 $0x70, s12;
	s19 =	sand.u32 $0x1C00, s13;
	p0 =	sne.s32 s12, $0x3F0  }
.Ltmp2:
0x124: {  	s12 =	sadd.s32 $0x10, s12;
	s19 =	sor.u32 s19, s6;
	[tilespmem:s7+$0x12100] =	vst v7;
	(pc) =	sbr.rel @p0 .LBB2_7-.Ltmp2, $4  }
0x125: {  	s7 =	smov.u32 s11;
	s11 =	sor.u32 s14, s19  }
0x126: {  	v7 =	vmul.f32 v5, v3;
	v5 =	vld [tilespmem:s11+$0x2100];
	v8 =	vmul.f32 v6, v4  }
0x127: {  	v6 =	vld [tilespmem:s11+$0xA100]  }
0x128: {  	s13 =	sadd.s32 $0x80, s13;
	v7 =	vadd.f32 v8, v7  }
0x129: {  	_ = 	snop  }
0x12a: {  	s5 =	sadd.s32 $0x1, s5  }
0x12b: {  	p0 =	sne.s32 s5, $0x20  }
.Ltmp3:
0x12c: {  	v3 =	vmul.f32 v5, v3;
	v4 =	vmul.f32 v6, v4;
	(pc) =	sbr.rel @p0 .LBB2_6-.Ltmp3, $4  }
0x12d: {  	_ = 	snop  }
0x12e: {  	v3 =	vadd.f32 v4, v3  }
0x12f: {  	[tilespmem:s7+$0x12100] =	vst v7  }
0x130: {  	[tilespmem:s11+$0x12100] =	vst v3  }
0x131: {  	s4 =	rddreg [dreg:$0xc]  }
0x132: {  	[hbm4b:s4+s1] =	stream.linear.scatter [tilespmem:s0], [sflag:$0x3], $0x8000, $0x38;
	[tilespmem:$0x1A100] =	vst v63  }
0x133: {  	_ =	swait.ge [sflag:s18], $0x8000  }
0x134: {  	s2 =	sadd.s32 $0x1, s2;
	s19 =	rddreg [dreg:$0xd]  }
0x135: {  	p0 =	sne.s32 s2, s19  }
.Ltmp4:
0x136: {  	_ = 	snop;
	(pc) =	sbr.rel @p0 .LBB2_1-.Ltmp4, $3  }
0x137: {  	_ =	sdelay $0x1  }
0x138: {  	[sflag:s18] =	ssyncset.done $0x0  }
0x139: {  	[sflag:s18] =	ssyncadd.s32 $0xFFFF8000;
	s19 =	simm.s32 $0x80  }
0x13a: {  	_ =	sfence.sel $0x180000  }
0x13b: {  	[bflag:$0x0] =	sbarrier.arrive $0xFFFF  }
0x13c: {  	_ =	strace $0x9000004A  }
0x13d: {  	s0 =	stileid.u32;
	[bflag:$0x2] =	sbarrier.arrive $0xFFFF  }
0x13e: {  	p0 =	sne.s32 s0, $0x0;
	s0 =	rddreg [dreg:$0x2]  }
0x13f: {  	s0 =	sadd.s32 @!p0 $0x100000, s0  }
0x140: {  	[sflag:s0] =	ssyncadd.tile.s32 @!p0 $0x1;
	_ =	shalt  }
.Lfunc_end2:
_tile_overlayer_lowered:
.L_overlay_start_2:
0x141: {  	(tag) =	ssettag $0x2  }
0x142: {  	s0 =	rddreg [dreg:$0x0];
	s2 =	stileid.u32  }
0x143: {  	s1 =	rddreg [dreg:$0x1];
	p0 =	sne.s32 s2, $0x0  }
0x144: {  	s3 =	rddreg [dreg:$0x2];
	[bflag:$0x3] =	sbarrier.arrive $0xFFFF;
	s2 =	simm.s32 @!p0 $0x1C03  }
0x145: {  	[timem:s3], [sflag:s2] =	dma.local @!p0 [hbm:s0], s1  }
0x146: {  	s0 =	simm.s32 @!p0 $0x3  }
0x147: {  	_ =	swait.ge @!p0 [sflag:s0], s1  }
0x148: {  	s1 =	ssub.s32 @!p0 $0x0, s1;
	[sflag:s0] =	ssyncset.done @!p0 $0x0  }
0x149: {  	[sflag:s0] =	ssyncadd.s32 @!p0 s1  }
0x14a: {  	[bflag:$0x3] =	sbarrier.arrive $0xFFFF  }
0x14b: {  	_ =	shalt  }

</sc_bundles>
